<compile_context>
chip_gen: v7x
topology: tpu7x:2x2x1
jax: 0.10.2.dev20260603
libtpu: 0.0.44.dev20260713+nightly
codegen_flags: <defaults>
</compile_context>

<pallas_src>
import dataclasses

import jax
import jax.numpy as jnp
from jax import lax
from jax.experimental import pallas as pl
from jax.experimental.pallas import tpu as pltpu
from jax.experimental.pallas import tpu_sc as plsc

B = 16384
NC = 2
NS = 16
L = 16
NW = NC * NS
BPW = B // NW


def _sc_body(x_hbm, idx_hbm,
             a_li_hbm, b_li_hbm, a_ld_hbm, b_ld_hbm,
             a_qu_hbm, b_qu_hbm, c_qu_hbm, a_qd_hbm, b_qd_hbm, c_qd_hbm,
             out_hbm,
             idx_v, rA, rB, x_v, tab_v, o0, o1, o2, o3, semA, semB, semX):
    wid = lax.axis_index("s") * NC + lax.axis_index("c")
    base = wid * BPW
    H = BPW // 2
    row_refs = (rA, rB)
    sems = (semA, semB)

    idx_cps = [pltpu.async_copy(
        idx_hbm.at[pl.ds(base + h * H, H)], idx_v.at[pl.ds(h * H, H)],
        sems[h]) for h in range(2)]
    x_cp = pltpu.async_copy(x_hbm.at[pl.ds(base, BPW)], x_v, semX)

    tables = (a_li_hbm, b_li_hbm, a_ld_hbm, b_ld_hbm,
              a_qu_hbm, b_qu_hbm, c_qu_hbm, a_qd_hbm, b_qd_hbm, c_qd_hbm)
    lane = lax.iota(jnp.int32, L)
    mask = jnp.full((L,), L - 1, jnp.int32)

    chunk_copies = []
    for h in range(2):
        idx_cps[h].wait()

        @plsc.parallel_loop(0, H, L, unroll=1)
        def _(j, h=h):
            row_refs[h][pl.ds(j, L)] = lax.shift_right_logical(
                idx_v[pl.ds(h * H + j, L)], 4)
        chunk_copies.append(
            [pltpu.async_copy(t_hbm.at[row_refs[h]], tab_v.at[t, h], sems[h])
             for t, t_hbm in enumerate(tables)])

    out_copies = []
    x_cp.wait()
    for h in range(2):
        for cp in chunk_copies[h]:
            cp.wait()

        @plsc.parallel_loop(0, H, L, unroll=1)
        def _(j, h=h):
            row = lane + j
            s = pl.ds(h * H + j, L)
            lanes = lax.bitwise_and(idx_v[s], mask)
            t = lambda k: plsc.load_gather(tab_v.at[k, h], [row, lanes])
            xv = x_v[s]
            x2 = xv * xv
            o0[s] = jnp.abs(t(0)) * xv + t(1)
            o1[s] = -(jnp.abs(t(2)) * xv) + t(3)
            o2[s] = jnp.abs(t(4)) * x2 + t(5) * xv + t(6)
            o3[s] = -(jnp.abs(t(7)) * x2) + t(8) * xv + t(9)

    for r, o in enumerate((o0, o1, o2, o3)):
        out_copies.append(
            pltpu.async_copy(o, out_hbm.at[r].at[pl.ds(base, BPW)], semX))
    for cp in out_copies:
        cp.wait()


@jax.jit
def _run(x, idx, *tables):
    mesh = plsc.VectorSubcoreMesh(core_axis_name="c", subcore_axis_name="s")
    cp = pltpu.CompilerParams()
    for field, val in (("needs_layout_passes", False),
                       ("use_tc_tiling_on_sc", False)):
        if field in pltpu.CompilerParams.__dataclass_fields__:
            cp = dataclasses.replace(cp, **{field: val})
    kern = pl.kernel(
        _sc_body,
        out_type=jax.ShapeDtypeStruct((4, B), jnp.float32),
        mesh=mesh,
        scratch_types=[
            pltpu.VMEM((BPW,), jnp.int32),
            pltpu.VMEM((BPW // 2,), jnp.int32),
            pltpu.VMEM((BPW // 2,), jnp.int32),
            pltpu.VMEM((BPW,), jnp.float32),
            pltpu.VMEM((10, 2, BPW // 2, L), jnp.float32),
            pltpu.VMEM((BPW,), jnp.float32),
            pltpu.VMEM((BPW,), jnp.float32),
            pltpu.VMEM((BPW,), jnp.float32),
            pltpu.VMEM((BPW,), jnp.float32),
            pltpu.SemaphoreType.DMA,
            pltpu.SemaphoreType.DMA,
            pltpu.SemaphoreType.DMA,
        ],
        compiler_params=cp,
    )
    return kern(x, idx, *tables)


def kernel(x, x_cluster, a_li, b_li, a_ld, b_ld, a_qu, b_qu, c_qu,
           a_qd, b_qd, c_qd):
    idx = x_cluster.astype(jnp.int32)
    tabs = [t.reshape(-1, L) for t in (a_li, b_li, a_ld, b_ld,
                                       a_qu, b_qu, c_qu, a_qd, b_qd, c_qd)]
    return _run(x, idx, *tabs)

# --- scband reference (transcript-rebuilt; emitter-appended) ---
"""Pipeline reference for scband-abstract-phy-clustering-71193377898937 (READ-ONLY COPY).

The authoritative reference and input builder live on the scoring server;
editing this copy changes nothing except your own understanding.
"""

import jax, jax.numpy as jnp
import numpy as np

B = 16384
V = 1000000  # n_clusters

def _safe_finite(x):
    return jnp.clip(jnp.nan_to_num(x, posinf=1e16, neginf=-1e16), -1e16, 1e16)

def setup_inputs(seed: int = 0) -> dict:
    key = jax.random.key(seed)
    ks = jax.random.split(key, 12)
    x = jax.random.uniform(ks[0], (B,), dtype=jnp.float32) * 2.0  # 'UNSCALED' feature column
    x_cluster = jax.random.randint(ks[1], (B,), 0, V)
    # per-cluster learned parameter tables (one row per cluster), one set per Trend phy
    a_li = 0.1 * jax.random.normal(ks[2], (V,), dtype=jnp.float32) + 0.1
    b_li = 0.1 * jax.random.normal(ks[3], (V,), dtype=jnp.float32) + 0.1
    a_ld = 0.1 * jax.random.normal(ks[4], (V,), dtype=jnp.float32) + 0.1
    b_ld = 0.1 * jax.random.normal(ks[5], (V,), dtype=jnp.float32) + 0.1
    a_qu = 0.1 * jax.random.normal(ks[6], (V,), dtype=jnp.float32) + 0.1
    b_qu = 0.1 * jax.random.normal(ks[7], (V,), dtype=jnp.float32) + 0.1
    c_qu = 0.1 * jax.random.normal(ks[8], (V,), dtype=jnp.float32) + 0.1
    a_qd = 0.1 * jax.random.normal(ks[9], (V,), dtype=jnp.float32) + 0.1
    b_qd = 0.1 * jax.random.normal(ks[10], (V,), dtype=jnp.float32) + 0.1
    c_qd = 0.1 * jax.random.normal(ks[11], (V,), dtype=jnp.float32) + 0.1
    return {"x": x, "x_cluster": x_cluster,
            "a_li": a_li, "b_li": b_li, "a_ld": a_ld, "b_ld": b_ld,
            "a_qu": a_qu, "b_qu": b_qu, "c_qu": c_qu,
            "a_qd": a_qd, "b_qd": b_qd, "c_qd": c_qd}

def reference(x, x_cluster, a_li, b_li, a_ld, b_ld, a_qu, b_qu, c_qu, a_qd, b_qd, c_qd):
    # gather per-cluster parameters (embedding-style lookup into [V] tables)
    g = lambda p: jnp.take(p, x_cluster, axis=0)
    # TrendLinearIncreasing: |a[c]| * x + b[c]
    out_li = jnp.abs(g(a_li)) * x + g(b_li)
    # TrendLinearDecreasing: -|a[c]| * x + b[c]
    out_ld = -jnp.abs(g(a_ld)) * x + g(b_ld)
    x2 = _safe_finite(jnp.power(x, 2))
    # TrendQuadraticOpenUpward: |a[c]| * x^2 + b[c] * x + c[c]
    out_qu = jnp.abs(g(a_qu)) * x2 + g(b_qu) * x + g(c_qu)
    # TrendQuadraticOpenDownward: -|a[c]| * x^2 + b[c] * x + c[c]
    out_qd = -jnp.abs(g(a_qd)) * x2 + g(b_qd) * x + g(c_qd)
    return jnp.stack([out_li, out_ld, out_qu, out_qd], axis=0)

if __name__ == "__main__":
    import jax
    _d = setup_inputs()
    print(jax.jit(kernel)(*tuple(_d.values())))

</pallas_src>

<mosaic_0001>
#map = affine_map<(d0, d1) -> (0)>
#map1 = affine_map<(d0, d1) -> (0, 0)>
module attributes {stable_mosaic.version = 14 : i64} {
  func.func @_sc_body(%arg0: i32, %arg1: i32, %arg2: memref<16384xf32, #tpu.memory_space<hbm>>, %arg3: memref<16384xi32, #tpu.memory_space<hbm>>, %arg4: memref<62500x16xf32, #tpu.memory_space<hbm>>, %arg5: memref<62500x16xf32, #tpu.memory_space<hbm>>, %arg6: memref<62500x16xf32, #tpu.memory_space<hbm>>, %arg7: memref<62500x16xf32, #tpu.memory_space<hbm>>, %arg8: memref<62500x16xf32, #tpu.memory_space<hbm>>, %arg9: memref<62500x16xf32, #tpu.memory_space<hbm>>, %arg10: memref<62500x16xf32, #tpu.memory_space<hbm>>, %arg11: memref<62500x16xf32, #tpu.memory_space<hbm>>, %arg12: memref<62500x16xf32, #tpu.memory_space<hbm>>, %arg13: memref<62500x16xf32, #tpu.memory_space<hbm>>, %arg14: memref<4x16384xf32, #tpu.memory_space<hbm>>, %arg15: memref<512xi32, #tpu.memory_space<vmem>>, %arg16: memref<256xi32, #tpu.memory_space<vmem>>, %arg17: memref<256xi32, #tpu.memory_space<vmem>>, %arg18: memref<512xf32, #tpu.memory_space<vmem>>, %arg19: memref<10x2x256x16xf32, #tpu.memory_space<vmem>>, %arg20: memref<512xf32, #tpu.memory_space<vmem>>, %arg21: memref<512xf32, #tpu.memory_space<vmem>>, %arg22: memref<512xf32, #tpu.memory_space<vmem>>, %arg23: memref<512xf32, #tpu.memory_space<vmem>>, %arg24: memref<!tpu.dma_semaphore, #tpu.memory_space<semaphore_mem>>, %arg25: memref<!tpu.dma_semaphore, #tpu.memory_space<semaphore_mem>>, %arg26: memref<!tpu.dma_semaphore, #tpu.memory_space<semaphore_mem>>) attributes {dimension_semantics = [#tpu.dimension_semantics<core_parallel>, #tpu.dimension_semantics<subcore_parallel>], iteration_bounds = array<i64: 2, 16>, scalar_prefetch = 0 : i64, scratch_operands = 12 : i64, tpu.core_type = #tpu.core_type<sc_vector_subcore>, window_params = [{transform_indices = #map}, {transform_indices = #map}, {transform_indices = #map1}, {transform_indices = #map1}, {transform_indices = #map1}, {transform_indices = #map1}, {transform_indices = #map1}, {transform_indices = #map1}, {transform_indices = #map1}, {transform_indices = #map1}, {transform_indices = #map1}, {transform_indices = #map1}, {transform_indices = #map1}]} {
    %mul3A = arith.constant 2 : i32
    %mul3A_0 = arith.muli %arg1, %mul3A : i32
    %add3A = arith.addi %mul3A_0, %arg0 : i32
    %mul3A_1 = arith.constant 512 : i32
    %mul3A_2 = arith.muli %add3A, %mul3A_1 : i32
    %add3A_3 = arith.constant 0 : i32
    %add3A_4 = arith.addi %mul3A_2, %add3A_3 : i32
    %dma_start3A = arith.constant 0 : i32
    %dma_start3A_5 = tpu.memref_slice %arg15[%dma_start3A] : memref<512xi32, #tpu.memory_space<vmem>> -> memref<256xi32, #tpu.memory_space<vmem>>
    %dma_start3A_6 = tpu.memref_slice %arg3[%add3A_4] : memref<16384xi32, #tpu.memory_space<hbm>> -> memref<256xi32, #tpu.memory_space<hbm>>
    %dma_start3A_7 = arith.constant 0 : i32
    %dma_start3A_8 = tpu.memref_slice %arg15[%dma_start3A_7] : memref<512xi32, #tpu.memory_space<vmem>> -> memref<256xi32, #tpu.memory_space<vmem>>
    %dma_start3A_9 = tpu.memref_slice %arg3[%add3A_4] : memref<16384xi32, #tpu.memory_space<hbm>> -> memref<256xi32, #tpu.memory_space<hbm>>
    tpu.enqueue_dma source(%dma_start3A_9 : memref<256xi32, #tpu.memory_space<hbm>>) target(%dma_start3A_8 : memref<256xi32, #tpu.memory_space<vmem>>) target_semaphore(%arg24 : memref<!tpu.dma_semaphore, #tpu.memory_space<semaphore_mem>>)
    %add3A_10 = arith.constant 256 : i32
    %add3A_11 = arith.addi %mul3A_2, %add3A_10 : i32
    %dma_start3A_12 = arith.constant 256 : i32
    %dma_start3A_13 = tpu.memref_slice %arg15[%dma_start3A_12] : memref<512xi32, #tpu.memory_space<vmem>> -> memref<256xi32, #tpu.memory_space<vmem>>
    %dma_start3A_14 = tpu.memref_slice %arg3[%add3A_11] : memref<16384xi32, #tpu.memory_space<hbm>> -> memref<256xi32, #tpu.memory_space<hbm>>
    %dma_start3A_15 = arith.constant 256 : i32
    %dma_start3A_16 = tpu.memref_slice %arg15[%dma_start3A_15] : memref<512xi32, #tpu.memory_space<vmem>> -> memref<256xi32, #tpu.memory_space<vmem>>
    %dma_start3A_17 = tpu.memref_slice %arg3[%add3A_11] : memref<16384xi32, #tpu.memory_space<hbm>> -> memref<256xi32, #tpu.memory_space<hbm>>
    tpu.enqueue_dma source(%dma_start3A_17 : memref<256xi32, #tpu.memory_space<hbm>>) target(%dma_start3A_16 : memref<256xi32, #tpu.memory_space<vmem>>) target_semaphore(%arg25 : memref<!tpu.dma_semaphore, #tpu.memory_space<semaphore_mem>>)
    %dma_start3A_18 = tpu.memref_slice %arg2[%mul3A_2] : memref<16384xf32, #tpu.memory_space<hbm>> -> memref<512xf32, #tpu.memory_space<hbm>>
    %dma_start3A_19 = tpu.memref_slice %arg2[%mul3A_2] : memref<16384xf32, #tpu.memory_space<hbm>> -> memref<512xf32, #tpu.memory_space<hbm>>
    tpu.enqueue_dma source(%dma_start3A_19 : memref<512xf32, #tpu.memory_space<hbm>>) target(%arg18 : memref<512xf32, #tpu.memory_space<vmem>>) target_semaphore(%arg26 : memref<!tpu.dma_semaphore, #tpu.memory_space<semaphore_mem>>)
    %iota3A = tpu.iota {dimensions = array<i32: 0>} : vector<16xi32>
    %broadcast_in_dim3A = arith.constant 15 : i32
    %broadcast_in_dim3A_20 = vector.broadcast %broadcast_in_dim3A : i32 to vector<16xi32>
    %dma_wait3A = arith.constant 0 : i32
    %dma_wait3A_21 = tpu.memref_slice %arg15[%dma_wait3A] : memref<512xi32, #tpu.memory_space<vmem>> -> memref<256xi32, #tpu.memory_space<vmem>>
    %dma_wait3A_22 = tpu.memref_slice %arg3[%add3A_4] : memref<16384xi32, #tpu.memory_space<hbm>> -> memref<256xi32, #tpu.memory_space<hbm>>
    %dma_wait3A_23 = arith.constant 0 : i32
    %dma_wait3A_24 = tpu.memref_slice %arg15[%dma_wait3A_23] : memref<512xi32, #tpu.memory_space<vmem>> -> memref<256xi32, #tpu.memory_space<vmem>>
    %dma_wait3A_25 = tpu.memref_slice %arg3[%add3A_4] : memref<16384xi32, #tpu.memory_space<hbm>> -> memref<256xi32, #tpu.memory_space<hbm>>
    tpu.wait_dma2 semaphore(%arg24 : memref<!tpu.dma_semaphore, #tpu.memory_space<semaphore_mem>>) src(%dma_wait3A_25 : memref<256xi32, #tpu.memory_space<hbm>>) dst(%dma_wait3A_24 : memref<256xi32, #tpu.memory_space<vmem>>)
    %parallel_loop3A = arith.constant 0 : i32
    %parallel_loop3A_26 = arith.constant 256 : i32
    %parallel_loop3A_27 = arith.constant 16 : i32
    scf.for %parallel_loop3A_477 = %parallel_loop3A to %parallel_loop3A_26 step %parallel_loop3A_27  : i32 {
      %parallel_loop3A_478 = arith.constant 0 : i32
      %parallel_loop3A_479 = arith.addi %parallel_loop3A_478, %parallel_loop3A_477 : i32
      %parallel_loop3A_480 = arith.index_cast %parallel_loop3A_479 : i32 to index
      %parallel_loop3A_481 = tpu.vector_load %arg15[%parallel_loop3A_480] {strides = array<i32>} : memref<512xi32, #tpu.memory_space<vmem>>, vector<16xi32>,
      %parallel_loop3A_482 = arith.constant 4 : i32
      %parallel_loop3A_483 = vector.broadcast %parallel_loop3A_482 : i32 to vector<16xi32>
      %parallel_loop3A_484 = arith.shrui %parallel_loop3A_481, %parallel_loop3A_483 : vector<16xi32>
      %parallel_loop3A_485 = arith.index_cast %parallel_loop3A_477 : i32 to index
      %parallel_loop3A_486 = tpu.vector_load %arg16[%parallel_loop3A_485] {strides = array<i32>} : memref<256xi32, #tpu.memory_space<vmem>>, vector<16xi32>,
      tpu.vector_store %arg16[%parallel_loop3A_485], %parallel_loop3A_484 {strides = array<i32>} : memref<256xi32, #tpu.memory_space<vmem>>, vector<16xi32>,
    } {sc.loop_unroll_factor = 1 : i64, sc.parallel_access}
    %dma_start3A_28 = arith.constant 0 : i32
    %dma_start3A_29 = arith.constant 0 : i32
    %dma_start3A_30 = arith.constant 0 : i32
    %dma_start3A_31 = arith.constant 0 : i32
    %dma_start3A_32 = tpu.memref_slice %arg19[%dma_start3A_28, %dma_start3A_29, %dma_start3A_30, %dma_start3A_31] : memref<10x2x256x16xf32, #tpu.memory_space<vmem>> -> memref<1x1x256x16xf32, #tpu.memory_space<vmem>>
    %dma_start3A_33 = tpu.memref_squeeze %dma_start3A_32 : memref<1x1x256x16xf32, #tpu.memory_space<vmem>> -> memref<256x16xf32, #tpu.memory_space<vmem>>
    %dma_start3A_34 = arith.constant 0 : i32
    %dma_start3A_35 = arith.constant 0 : i32
    %dma_start3A_36 = tpu.memref_slice %arg4[%dma_start3A_34, %dma_start3A_35] : memref<62500x16xf32, #tpu.memory_space<hbm>> -> memref<62500x16xf32, #tpu.memory_space<hbm>>
    tpu.enqueue_indirect_dma source(%dma_start3A_36 : memref<62500x16xf32, #tpu.memory_space<hbm>>) target(%dma_start3A_33 : memref<256x16xf32, #tpu.memory_space<vmem>>) offsets(%arg16 : memref<256xi32, #tpu.memory_space<vmem>>) semaphore(%arg24 : memref<!tpu.dma_semaphore, #tpu.memory_space<semaphore_mem>>)
    %dma_start3A_37 = arith.constant 1 : i32
    %dma_start3A_38 = arith.constant 0 : i32
    %dma_start3A_39 = arith.constant 0 : i32
    %dma_start3A_40 = arith.constant 0 : i32
    %dma_start3A_41 = tpu.memref_slice %arg19[%dma_start3A_37, %dma_start3A_38, %dma_start3A_39, %dma_start3A_40] : memref<10x2x256x16xf32, #tpu.memory_space<vmem>> -> memref<1x1x256x16xf32, #tpu.memory_space<vmem>>
    %dma_start3A_42 = tpu.memref_squeeze %dma_start3A_41 : memref<1x1x256x16xf32, #tpu.memory_space<vmem>> -> memref<256x16xf32, #tpu.memory_space<vmem>>
    %dma_start3A_43 = arith.constant 0 : i32
    %dma_start3A_44 = arith.constant 0 : i32
    %dma_start3A_45 = tpu.memref_slice %arg5[%dma_start3A_43, %dma_start3A_44] : memref<62500x16xf32, #tpu.memory_space<hbm>> -> memref<62500x16xf32, #tpu.memory_space<hbm>>
    tpu.enqueue_indirect_dma source(%dma_start3A_45 : memref<62500x16xf32, #tpu.memory_space<hbm>>) target(%dma_start3A_42 : memref<256x16xf32, #tpu.memory_space<vmem>>) offsets(%arg16 : memref<256xi32, #tpu.memory_space<vmem>>) semaphore(%arg24 : memref<!tpu.dma_semaphore, #tpu.memory_space<semaphore_mem>>)
    %dma_start3A_46 = arith.constant 2 : i32
    %dma_start3A_47 = arith.constant 0 : i32
    %dma_start3A_48 = arith.constant 0 : i32
    %dma_start3A_49 = arith.constant 0 : i32
    %dma_start3A_50 = tpu.memref_slice %arg19[%dma_start3A_46, %dma_start3A_47, %dma_start3A_48, %dma_start3A_49] : memref<10x2x256x16xf32, #tpu.memory_space<vmem>> -> memref<1x1x256x16xf32, #tpu.memory_space<vmem>>
    %dma_start3A_51 = tpu.memref_squeeze %dma_start3A_50 : memref<1x1x256x16xf32, #tpu.memory_space<vmem>> -> memref<256x16xf32, #tpu.memory_space<vmem>>
    %dma_start3A_52 = arith.constant 0 : i32
    %dma_start3A_53 = arith.constant 0 : i32
    %dma_start3A_54 = tpu.memref_slice %arg6[%dma_start3A_52, %dma_start3A_53] : memref<62500x16xf32, #tpu.memory_space<hbm>> -> memref<62500x16xf32, #tpu.memory_space<hbm>>
    tpu.enqueue_indirect_dma source(%dma_start3A_54 : memref<62500x16xf32, #tpu.memory_space<hbm>>) target(%dma_start3A_51 : memref<256x16xf32, #tpu.memory_space<vmem>>) offsets(%arg16 : memref<256xi32, #tpu.memory_space<vmem>>) semaphore(%arg24 : memref<!tpu.dma_semaphore, #tpu.memory_space<semaphore_mem>>)
    %dma_start3A_55 = arith.constant 3 : i32
    %dma_start3A_56 = arith.constant 0 : i32
    %dma_start3A_57 = arith.constant 0 : i32
    %dma_start3A_58 = arith.constant 0 : i32
    %dma_start3A_59 = tpu.memref_slice %arg19[%dma_start3A_55, %dma_start3A_56, %dma_start3A_57, %dma_start3A_58] : memref<10x2x256x16xf32, #tpu.memory_space<vmem>> -> memref<1x1x256x16xf32, #tpu.memory_space<vmem>>
    %dma_start3A_60 = tpu.memref_squeeze %dma_start3A_59 : memref<1x1x256x16xf32, #tpu.memory_space<vmem>> -> memref<256x16xf32, #tpu.memory_space<vmem>>
    %dma_start3A_61 = arith.constant 0 : i32
    %dma_start3A_62 = arith.constant 0 : i32
    %dma_start3A_63 = tpu.memref_slice %arg7[%dma_start3A_61, %dma_start3A_62] : memref<62500x16xf32, #tpu.memory_space<hbm>> -> memref<62500x16xf32, #tpu.memory_space<hbm>>
    tpu.enqueue_indirect_dma source(%dma_start3A_63 : memref<62500x16xf32, #tpu.memory_space<hbm>>) target(%dma_start3A_60 : memref<256x16xf32, #tpu.memory_space<vmem>>) offsets(%arg16 : memref<256xi32, #tpu.memory_space<vmem>>) semaphore(%arg24 : memref<!tpu.dma_semaphore, #tpu.memory_space<semaphore_mem>>)
    %dma_start3A_64 = arith.constant 4 : i32
    %dma_start3A_65 = arith.constant 0 : i32
    %dma_start3A_66 = arith.constant 0 : i32
    %dma_start3A_67 = arith.constant 0 : i32
    %dma_start3A_68 = tpu.memref_slice %arg19[%dma_start3A_64, %dma_start3A_65, %dma_start3A_66, %dma_start3A_67] : memref<10x2x256x16xf32, #tpu.memory_space<vmem>> -> memref<1x1x256x16xf32, #tpu.memory_space<vmem>>
    %dma_start3A_69 = tpu.memref_squeeze %dma_start3A_68 : memref<1x1x256x16xf32, #tpu.memory_space<vmem>> -> memref<256x16xf32, #tpu.memory_space<vmem>>
    %dma_start3A_70 = arith.constant 0 : i32
    %dma_start3A_71 = arith.constant 0 : i32
    %dma_start3A_72 = tpu.memref_slice %arg8[%dma_start3A_70, %dma_start3A_71] : memref<62500x16xf32, #tpu.memory_space<hbm>> -> memref<62500x16xf32, #tpu.memory_space<hbm>>
    tpu.enqueue_indirect_dma source(%dma_start3A_72 : memref<62500x16xf32, #tpu.memory_space<hbm>>) target(%dma_start3A_69 : memref<256x16xf32, #tpu.memory_space<vmem>>) offsets(%arg16 : memref<256xi32, #tpu.memory_space<vmem>>) semaphore(%arg24 : memref<!tpu.dma_semaphore, #tpu.memory_space<semaphore_mem>>)
    %dma_start3A_73 = arith.constant 5 : i32
    %dma_start3A_74 = arith.constant 0 : i32
    %dma_start3A_75 = arith.constant 0 : i32
    %dma_start3A_76 = arith.constant 0 : i32
    %dma_start3A_77 = tpu.memref_slice %arg19[%dma_start3A_73, %dma_start3A_74, %dma_start3A_75, %dma_start3A_76] : memref<10x2x256x16xf32, #tpu.memory_space<vmem>> -> memref<1x1x256x16xf32, #tpu.memory_space<vmem>>
    %dma_start3A_78 = tpu.memref_squeeze %dma_start3A_77 : memref<1x1x256x16xf32, #tpu.memory_space<vmem>> -> memref<256x16xf32, #tpu.memory_space<vmem>>
    %dma_start3A_79 = arith.constant 0 : i32
    %dma_start3A_80 = arith.constant 0 : i32
    %dma_start3A_81 = tpu.memref_slice %arg9[%dma_start3A_79, %dma_start3A_80] : memref<62500x16xf32, #tpu.memory_space<hbm>> -> memref<62500x16xf32, #tpu.memory_space<hbm>>
    tpu.enqueue_indirect_dma source(%dma_start3A_81 : memref<62500x16xf32, #tpu.memory_space<hbm>>) target(%dma_start3A_78 : memref<256x16xf32, #tpu.memory_space<vmem>>) offsets(%arg16 : memref<256xi32, #tpu.memory_space<vmem>>) semaphore(%arg24 : memref<!tpu.dma_semaphore, #tpu.memory_space<semaphore_mem>>)
    %dma_start3A_82 = arith.constant 6 : i32
    %dma_start3A_83 = arith.constant 0 : i32
    %dma_start3A_84 = arith.constant 0 : i32
    %dma_start3A_85 = arith.constant 0 : i32
    %dma_start3A_86 = tpu.memref_slice %arg19[%dma_start3A_82, %dma_start3A_83, %dma_start3A_84, %dma_start3A_85] : memref<10x2x256x16xf32, #tpu.memory_space<vmem>> -> memref<1x1x256x16xf32, #tpu.memory_space<vmem>>
    %dma_start3A_87 = tpu.memref_squeeze %dma_start3A_86 : memref<1x1x256x16xf32, #tpu.memory_space<vmem>> -> memref<256x16xf32, #tpu.memory_space<vmem>>
    %dma_start3A_88 = arith.constant 0 : i32
    %dma_start3A_89 = arith.constant 0 : i32
    %dma_start3A_90 = tpu.memref_slice %arg10[%dma_start3A_88, %dma_start3A_89] : memref<62500x16xf32, #tpu.memory_space<hbm>> -> memref<62500x16xf32, #tpu.memory_space<hbm>>
    tpu.enqueue_indirect_dma source(%dma_start3A_90 : memref<62500x16xf32, #tpu.memory_space<hbm>>) target(%dma_start3A_87 : memref<256x16xf32, #tpu.memory_space<vmem>>) offsets(%arg16 : memref<256xi32, #tpu.memory_space<vmem>>) semaphore(%arg24 : memref<!tpu.dma_semaphore, #tpu.memory_space<semaphore_mem>>)
    %dma_start3A_91 = arith.constant 7 : i32
    %dma_start3A_92 = arith.constant 0 : i32
    %dma_start3A_93 = arith.constant 0 : i32
    %dma_start3A_94 = arith.constant 0 : i32
    %dma_start3A_95 = tpu.memref_slice %arg19[%dma_start3A_91, %dma_start3A_92, %dma_start3A_93, %dma_start3A_94] : memref<10x2x256x16xf32, #tpu.memory_space<vmem>> -> memref<1x1x256x16xf32, #tpu.memory_space<vmem>>
    %dma_start3A_96 = tpu.memref_squeeze %dma_start3A_95 : memref<1x1x256x16xf32, #tpu.memory_space<vmem>> -> memref<256x16xf32, #tpu.memory_space<vmem>>
    %dma_start3A_97 = arith.constant 0 : i32
    %dma_start3A_98 = arith.constant 0 : i32
    %dma_start3A_99 = tpu.memref_slice %arg11[%dma_start3A_97, %dma_start3A_98] : memref<62500x16xf32, #tpu.memory_space<hbm>> -> memref<62500x16xf32, #tpu.memory_space<hbm>>
    tpu.enqueue_indirect_dma source(%dma_start3A_99 : memref<62500x16xf32, #tpu.memory_space<hbm>>) target(%dma_start3A_96 : memref<256x16xf32, #tpu.memory_space<vmem>>) offsets(%arg16 : memref<256xi32, #tpu.memory_space<vmem>>) semaphore(%arg24 : memref<!tpu.dma_semaphore, #tpu.memory_space<semaphore_mem>>)
    %dma_start3A_100 = arith.constant 8 : i32
    %dma_start3A_101 = arith.constant 0 : i32
    %dma_start3A_102 = arith.constant 0 : i32
    %dma_start3A_103 = arith.constant 0 : i32
    %dma_start3A_104 = tpu.memref_slice %arg19[%dma_start3A_100, %dma_start3A_101, %dma_start3A_102, %dma_start3A_103] : memref<10x2x256x16xf32, #tpu.memory_space<vmem>> -> memref<1x1x256x16xf32, #tpu.memory_space<vmem>>
    %dma_start3A_105 = tpu.memref_squeeze %dma_start3A_104 : memref<1x1x256x16xf32, #tpu.memory_space<vmem>> -> memref<256x16xf32, #tpu.memory_space<vmem>>
    %dma_start3A_106 = arith.constant 0 : i32
    %dma_start3A_107 = arith.constant 0 : i32
    %dma_start3A_108 = tpu.memref_slice %arg12[%dma_start3A_106, %dma_start3A_107] : memref<62500x16xf32, #tpu.memory_space<hbm>> -> memref<62500x16xf32, #tpu.memory_space<hbm>>
    tpu.enqueue_indirect_dma source(%dma_start3A_108 : memref<62500x16xf32, #tpu.memory_space<hbm>>) target(%dma_start3A_105 : memref<256x16xf32, #tpu.memory_space<vmem>>) offsets(%arg16 : memref<256xi32, #tpu.memory_space<vmem>>) semaphore(%arg24 : memref<!tpu.dma_semaphore, #tpu.memory_space<semaphore_mem>>)
    %dma_start3A_109 = arith.constant 9 : i32
    %dma_start3A_110 = arith.constant 0 : i32
    %dma_start3A_111 = arith.constant 0 : i32
    %dma_start3A_112 = arith.constant 0 : i32
    %dma_start3A_113 = tpu.memref_slice %arg19[%dma_start3A_109, %dma_start3A_110, %dma_start3A_111, %dma_start3A_112] : memref<10x2x256x16xf32, #tpu.memory_space<vmem>> -> memref<1x1x256x16xf32, #tpu.memory_space<vmem>>
    %dma_start3A_114 = tpu.memref_squeeze %dma_start3A_113 : memref<1x1x256x16xf32, #tpu.memory_space<vmem>> -> memref<256x16xf32, #tpu.memory_space<vmem>>
    %dma_start3A_115 = arith.constant 0 : i32
    %dma_start3A_116 = arith.constant 0 : i32
    %dma_start3A_117 = tpu.memref_slice %arg13[%dma_start3A_115, %dma_start3A_116] : memref<62500x16xf32, #tpu.memory_space<hbm>> -> memref<62500x16xf32, #tpu.memory_space<hbm>>
    tpu.enqueue_indirect_dma source(%dma_start3A_117 : memref<62500x16xf32, #tpu.memory_space<hbm>>) target(%dma_start3A_114 : memref<256x16xf32, #tpu.memory_space<vmem>>) offsets(%arg16 : memref<256xi32, #tpu.memory_space<vmem>>) semaphore(%arg24 : memref<!tpu.dma_semaphore, #tpu.memory_space<semaphore_mem>>)
    %dma_wait3A_118 = arith.constant 256 : i32
    %dma_wait3A_119 = tpu.memref_slice %arg15[%dma_wait3A_118] : memref<512xi32, #tpu.memory_space<vmem>> -> memref<256xi32, #tpu.memory_space<vmem>>
    %dma_wait3A_120 = tpu.memref_slice %arg3[%add3A_11] : memref<16384xi32, #tpu.memory_space<hbm>> -> memref<256xi32, #tpu.memory_space<hbm>>
    %dma_wait3A_121 = arith.constant 256 : i32
    %dma_wait3A_122 = tpu.memref_slice %arg15[%dma_wait3A_121] : memref<512xi32, #tpu.memory_space<vmem>> -> memref<256xi32, #tpu.memory_space<vmem>>
    %dma_wait3A_123 = tpu.memref_slice %arg3[%add3A_11] : memref<16384xi32, #tpu.memory_space<hbm>> -> memref<256xi32, #tpu.memory_space<hbm>>
    tpu.wait_dma2 semaphore(%arg25 : memref<!tpu.dma_semaphore, #tpu.memory_space<semaphore_mem>>) src(%dma_wait3A_123 : memref<256xi32, #tpu.memory_space<hbm>>) dst(%dma_wait3A_122 : memref<256xi32, #tpu.memory_space<vmem>>)
    %parallel_loop3A_124 = arith.constant 0 : i32
    %parallel_loop3A_125 = arith.constant 256 : i32
    %parallel_loop3A_126 = arith.constant 16 : i32
    scf.for %parallel_loop3A_477 = %parallel_loop3A_124 to %parallel_loop3A_125 step %parallel_loop3A_126  : i32 {
      %parallel_loop3A_478 = arith.constant 256 : i32
      %parallel_loop3A_479 = arith.addi %parallel_loop3A_478, %parallel_loop3A_477 : i32
      %parallel_loop3A_480 = arith.index_cast %parallel_loop3A_479 : i32 to index
      %parallel_loop3A_481 = tpu.vector_load %arg15[%parallel_loop3A_480] {strides = array<i32>} : memref<512xi32, #tpu.memory_space<vmem>>, vector<16xi32>,
      %parallel_loop3A_482 = arith.constant 4 : i32
      %parallel_loop3A_483 = vector.broadcast %parallel_loop3A_482 : i32 to vector<16xi32>
      %parallel_loop3A_484 = arith.shrui %parallel_loop3A_481, %parallel_loop3A_483 : vector<16xi32>
      %parallel_loop3A_485 = arith.index_cast %parallel_loop3A_477 : i32 to index
      %parallel_loop3A_486 = tpu.vector_load %arg17[%parallel_loop3A_485] {strides = array<i32>} : memref<256xi32, #tpu.memory_space<vmem>>, vector<16xi32>,
      tpu.vector_store %arg17[%parallel_loop3A_485], %parallel_loop3A_484 {strides = array<i32>} : memref<256xi32, #tpu.memory_space<vmem>>, vector<16xi32>,
    } {sc.loop_unroll_factor = 1 : i64, sc.parallel_access}
    %dma_start3A_127 = arith.constant 0 : i32
    %dma_start3A_128 = arith.constant 1 : i32
    %dma_start3A_129 = arith.constant 0 : i32
    %dma_start3A_130 = arith.constant 0 : i32
    %dma_start3A_131 = tpu.memref_slice %arg19[%dma_start3A_127, %dma_start3A_128, %dma_start3A_129, %dma_start3A_130] : memref<10x2x256x16xf32, #tpu.memory_space<vmem>> -> memref<1x1x256x16xf32, #tpu.memory_space<vmem>>
    %dma_start3A_132 = tpu.memref_squeeze %dma_start3A_131 : memref<1x1x256x16xf32, #tpu.memory_space<vmem>> -> memref<256x16xf32, #tpu.memory_space<vmem>>
    %dma_start3A_133 = arith.constant 0 : i32
    %dma_start3A_134 = arith.constant 0 : i32
    %dma_start3A_135 = tpu.memref_slice %arg4[%dma_start3A_133, %dma_start3A_134] : memref<62500x16xf32, #tpu.memory_space<hbm>> -> memref<62500x16xf32, #tpu.memory_space<hbm>>
    tpu.enqueue_indirect_dma source(%dma_start3A_135 : memref<62500x16xf32, #tpu.memory_space<hbm>>) target(%dma_start3A_132 : memref<256x16xf32, #tpu.memory_space<vmem>>) offsets(%arg17 : memref<256xi32, #tpu.memory_space<vmem>>) semaphore(%arg25 : memref<!tpu.dma_semaphore, #tpu.memory_space<semaphore_mem>>)
    %dma_start3A_136 = arith.constant 1 : i32
    %dma_start3A_137 = arith.constant 1 : i32
    %dma_start3A_138 = arith.constant 0 : i32
    %dma_start3A_139 = arith.constant 0 : i32
    %dma_start3A_140 = tpu.memref_slice %arg19[%dma_start3A_136, %dma_start3A_137, %dma_start3A_138, %dma_start3A_139] : memref<10x2x256x16xf32, #tpu.memory_space<vmem>> -> memref<1x1x256x16xf32, #tpu.memory_space<vmem>>
    %dma_start3A_141 = tpu.memref_squeeze %dma_start3A_140 : memref<1x1x256x16xf32, #tpu.memory_space<vmem>> -> memref<256x16xf32, #tpu.memory_space<vmem>>
    %dma_start3A_142 = arith.constant 0 : i32
    %dma_start3A_143 = arith.constant 0 : i32
    %dma_start3A_144 = tpu.memref_slice %arg5[%dma_start3A_142, %dma_start3A_143] : memref<62500x16xf32, #tpu.memory_space<hbm>> -> memref<62500x16xf32, #tpu.memory_space<hbm>>
    tpu.enqueue_indirect_dma source(%dma_start3A_144 : memref<62500x16xf32, #tpu.memory_space<hbm>>) target(%dma_start3A_141 : memref<256x16xf32, #tpu.memory_space<vmem>>) offsets(%arg17 : memref<256xi32, #tpu.memory_space<vmem>>) semaphore(%arg25 : memref<!tpu.dma_semaphore, #tpu.memory_space<semaphore_mem>>)
    %dma_start3A_145 = arith.constant 2 : i32
    %dma_start3A_146 = arith.constant 1 : i32
    %dma_start3A_147 = arith.constant 0 : i32
    %dma_start3A_148 = arith.constant 0 : i32
    %dma_start3A_149 = tpu.memref_slice %arg19[%dma_start3A_145, %dma_start3A_146, %dma_start3A_147, %dma_start3A_148] : memref<10x2x256x16xf32, #tpu.memory_space<vmem>> -> memref<1x1x256x16xf32, #tpu.memory_space<vmem>>
    %dma_start3A_150 = tpu.memref_squeeze %dma_start3A_149 : memref<1x1x256x16xf32, #tpu.memory_space<vmem>> -> memref<256x16xf32, #tpu.memory_space<vmem>>
    %dma_start3A_151 = arith.constant 0 : i32
    %dma_start3A_152 = arith.constant 0 : i32
    %dma_start3A_153 = tpu.memref_slice %arg6[%dma_start3A_151, %dma_start3A_152] : memref<62500x16xf32, #tpu.memory_space<hbm>> -> memref<62500x16xf32, #tpu.memory_space<hbm>>
    tpu.enqueue_indirect_dma source(%dma_start3A_153 : memref<62500x16xf32, #tpu.memory_space<hbm>>) target(%dma_start3A_150 : memref<256x16xf32, #tpu.memory_space<vmem>>) offsets(%arg17 : memref<256xi32, #tpu.memory_space<vmem>>) semaphore(%arg25 : memref<!tpu.dma_semaphore, #tpu.memory_space<semaphore_mem>>)
    %dma_start3A_154 = arith.constant 3 : i32
    %dma_start3A_155 = arith.constant 1 : i32
    %dma_start3A_156 = arith.constant 0 : i32
    %dma_start3A_157 = arith.constant 0 : i32
    %dma_start3A_158 = tpu.memref_slice %arg19[%dma_start3A_154, %dma_start3A_155, %dma_start3A_156, %dma_start3A_157] : memref<10x2x256x16xf32, #tpu.memory_space<vmem>> -> memref<1x1x256x16xf32, #tpu.memory_space<vmem>>
    %dma_start3A_159 = tpu.memref_squeeze %dma_start3A_158 : memref<1x1x256x16xf32, #tpu.memory_space<vmem>> -> memref<256x16xf32, #tpu.memory_space<vmem>>
    %dma_start3A_160 = arith.constant 0 : i32
    %dma_start3A_161 = arith.constant 0 : i32
    %dma_start3A_162 = tpu.memref_slice %arg7[%dma_start3A_160, %dma_start3A_161] : memref<62500x16xf32, #tpu.memory_space<hbm>> -> memref<62500x16xf32, #tpu.memory_space<hbm>>
    tpu.enqueue_indirect_dma source(%dma_start3A_162 : memref<62500x16xf32, #tpu.memory_space<hbm>>) target(%dma_start3A_159 : memref<256x16xf32, #tpu.memory_space<vmem>>) offsets(%arg17 : memref<256xi32, #tpu.memory_space<vmem>>) semaphore(%arg25 : memref<!tpu.dma_semaphore, #tpu.memory_space<semaphore_mem>>)
    %dma_start3A_163 = arith.constant 4 : i32
    %dma_start3A_164 = arith.constant 1 : i32
    %dma_start3A_165 = arith.constant 0 : i32
    %dma_start3A_166 = arith.constant 0 : i32
    %dma_start3A_167 = tpu.memref_slice %arg19[%dma_start3A_163, %dma_start3A_164, %dma_start3A_165, %dma_start3A_166] : memref<10x2x256x16xf32, #tpu.memory_space<vmem>> -> memref<1x1x256x16xf32, #tpu.memory_space<vmem>>
    %dma_start3A_168 = tpu.memref_squeeze %dma_start3A_167 : memref<1x1x256x16xf32, #tpu.memory_space<vmem>> -> memref<256x16xf32, #tpu.memory_space<vmem>>
    %dma_start3A_169 = arith.constant 0 : i32
    %dma_start3A_170 = arith.constant 0 : i32
    %dma_start3A_171 = tpu.memref_slice %arg8[%dma_start3A_169, %dma_start3A_170] : memref<62500x16xf32, #tpu.memory_space<hbm>> -> memref<62500x16xf32, #tpu.memory_space<hbm>>
    tpu.enqueue_indirect_dma source(%dma_start3A_171 : memref<62500x16xf32, #tpu.memory_space<hbm>>) target(%dma_start3A_168 : memref<256x16xf32, #tpu.memory_space<vmem>>) offsets(%arg17 : memref<256xi32, #tpu.memory_space<vmem>>) semaphore(%arg25 : memref<!tpu.dma_semaphore, #tpu.memory_space<semaphore_mem>>)
    %dma_start3A_172 = arith.constant 5 : i32
    %dma_start3A_173 = arith.constant 1 : i32
    %dma_start3A_174 = arith.constant 0 : i32
    %dma_start3A_175 = arith.constant 0 : i32
    %dma_start3A_176 = tpu.memref_slice %arg19[%dma_start3A_172, %dma_start3A_173, %dma_start3A_174, %dma_start3A_175] : memref<10x2x256x16xf32, #tpu.memory_space<vmem>> -> memref<1x1x256x16xf32, #tpu.memory_space<vmem>>
    %dma_start3A_177 = tpu.memref_squeeze %dma_start3A_176 : memref<1x1x256x16xf32, #tpu.memory_space<vmem>> -> memref<256x16xf32, #tpu.memory_space<vmem>>
    %dma_start3A_178 = arith.constant 0 : i32
    %dma_start3A_179 = arith.constant 0 : i32
    %dma_start3A_180 = tpu.memref_slice %arg9[%dma_start3A_178, %dma_start3A_179] : memref<62500x16xf32, #tpu.memory_space<hbm>> -> memref<62500x16xf32, #tpu.memory_space<hbm>>
    tpu.enqueue_indirect_dma source(%dma_start3A_180 : memref<62500x16xf32, #tpu.memory_space<hbm>>) target(%dma_start3A_177 : memref<256x16xf32, #tpu.memory_space<vmem>>) offsets(%arg17 : memref<256xi32, #tpu.memory_space<vmem>>) semaphore(%arg25 : memref<!tpu.dma_semaphore, #tpu.memory_space<semaphore_mem>>)
    %dma_start3A_181 = arith.constant 6 : i32
    %dma_start3A_182 = arith.constant 1 : i32
    %dma_start3A_183 = arith.constant 0 : i32
    %dma_start3A_184 = arith.constant 0 : i32
    %dma_start3A_185 = tpu.memref_slice %arg19[%dma_start3A_181, %dma_start3A_182, %dma_start3A_183, %dma_start3A_184] : memref<10x2x256x16xf32, #tpu.memory_space<vmem>> -> memref<1x1x256x16xf32, #tpu.memory_space<vmem>>
    %dma_start3A_186 = tpu.memref_squeeze %dma_start3A_185 : memref<1x1x256x16xf32, #tpu.memory_space<vmem>> -> memref<256x16xf32, #tpu.memory_space<vmem>>
    %dma_start3A_187 = arith.constant 0 : i32
    %dma_start3A_188 = arith.constant 0 : i32
    %dma_start3A_189 = tpu.memref_slice %arg10[%dma_start3A_187, %dma_start3A_188] : memref<62500x16xf32, #tpu.memory_space<hbm>> -> memref<62500x16xf32, #tpu.memory_space<hbm>>
    tpu.enqueue_indirect_dma source(%dma_start3A_189 : memref<62500x16xf32, #tpu.memory_space<hbm>>) target(%dma_start3A_186 : memref<256x16xf32, #tpu.memory_space<vmem>>) offsets(%arg17 : memref<256xi32, #tpu.memory_space<vmem>>) semaphore(%arg25 : memref<!tpu.dma_semaphore, #tpu.memory_space<semaphore_mem>>)
    %dma_start3A_190 = arith.constant 7 : i32
    %dma_start3A_191 = arith.constant 1 : i32
    %dma_start3A_192 = arith.constant 0 : i32
    %dma_start3A_193 = arith.constant 0 : i32
    %dma_start3A_194 = tpu.memref_slice %arg19[%dma_start3A_190, %dma_start3A_191, %dma_start3A_192, %dma_start3A_193] : memref<10x2x256x16xf32, #tpu.memory_space<vmem>> -> memref<1x1x256x16xf32, #tpu.memory_space<vmem>>
    %dma_start3A_195 = tpu.memref_squeeze %dma_start3A_194 : memref<1x1x256x16xf32, #tpu.memory_space<vmem>> -> memref<256x16xf32, #tpu.memory_space<vmem>>
    %dma_start3A_196 = arith.constant 0 : i32
    %dma_start3A_197 = arith.constant 0 : i32
    %dma_start3A_198 = tpu.memref_slice %arg11[%dma_start3A_196, %dma_start3A_197] : memref<62500x16xf32, #tpu.memory_space<hbm>> -> memref<62500x16xf32, #tpu.memory_space<hbm>>
    tpu.enqueue_indirect_dma source(%dma_start3A_198 : memref<62500x16xf32, #tpu.memory_space<hbm>>) target(%dma_start3A_195 : memref<256x16xf32, #tpu.memory_space<vmem>>) offsets(%arg17 : memref<256xi32, #tpu.memory_space<vmem>>) semaphore(%arg25 : memref<!tpu.dma_semaphore, #tpu.memory_space<semaphore_mem>>)
    %dma_start3A_199 = arith.constant 8 : i32
    %dma_start3A_200 = arith.constant 1 : i32
    %dma_start3A_201 = arith.constant 0 : i32
    %dma_start3A_202 = arith.constant 0 : i32
    %dma_start3A_203 = tpu.memref_slice %arg19[%dma_start3A_199, %dma_start3A_200, %dma_start3A_201, %dma_start3A_202] : memref<10x2x256x16xf32, #tpu.memory_space<vmem>> -> memref<1x1x256x16xf32, #tpu.memory_space<vmem>>
    %dma_start3A_204 = tpu.memref_squeeze %dma_start3A_203 : memref<1x1x256x16xf32, #tpu.memory_space<vmem>> -> memref<256x16xf32, #tpu.memory_space<vmem>>
    %dma_start3A_205 = arith.constant 0 : i32
    %dma_start3A_206 = arith.constant 0 : i32
    %dma_start3A_207 = tpu.memref_slice %arg12[%dma_start3A_205, %dma_start3A_206] : memref<62500x16xf32, #tpu.memory_space<hbm>> -> memref<62500x16xf32, #tpu.memory_space<hbm>>
    tpu.enqueue_indirect_dma source(%dma_start3A_207 : memref<62500x16xf32, #tpu.memory_space<hbm>>) target(%dma_start3A_204 : memref<256x16xf32, #tpu.memory_space<vmem>>) offsets(%arg17 : memref<256xi32, #tpu.memory_space<vmem>>) semaphore(%arg25 : memref<!tpu.dma_semaphore, #tpu.memory_space<semaphore_mem>>)
    %dma_start3A_208 = arith.constant 9 : i32
    %dma_start3A_209 = arith.constant 1 : i32
    %dma_start3A_210 = arith.constant 0 : i32
    %dma_start3A_211 = arith.constant 0 : i32
    %dma_start3A_212 = tpu.memref_slice %arg19[%dma_start3A_208, %dma_start3A_209, %dma_start3A_210, %dma_start3A_211] : memref<10x2x256x16xf32, #tpu.memory_space<vmem>> -> memref<1x1x256x16xf32, #tpu.memory_space<vmem>>
    %dma_start3A_213 = tpu.memref_squeeze %dma_start3A_212 : memref<1x1x256x16xf32, #tpu.memory_space<vmem>> -> memref<256x16xf32, #tpu.memory_space<vmem>>
    %dma_start3A_214 = arith.constant 0 : i32
    %dma_start3A_215 = arith.constant 0 : i32
    %dma_start3A_216 = tpu.memref_slice %arg13[%dma_start3A_214, %dma_start3A_215] : memref<62500x16xf32, #tpu.memory_space<hbm>> -> memref<62500x16xf32, #tpu.memory_space<hbm>>
    tpu.enqueue_indirect_dma source(%dma_start3A_216 : memref<62500x16xf32, #tpu.memory_space<hbm>>) target(%dma_start3A_213 : memref<256x16xf32, #tpu.memory_space<vmem>>) offsets(%arg17 : memref<256xi32, #tpu.memory_space<vmem>>) semaphore(%arg25 : memref<!tpu.dma_semaphore, #tpu.memory_space<semaphore_mem>>)
    %dma_wait3A_217 = tpu.memref_slice %arg2[%mul3A_2] : memref<16384xf32, #tpu.memory_space<hbm>> -> memref<512xf32, #tpu.memory_space<hbm>>
    %dma_wait3A_218 = tpu.memref_slice %arg2[%mul3A_2] : memref<16384xf32, #tpu.memory_space<hbm>> -> memref<512xf32, #tpu.memory_space<hbm>>
    tpu.wait_dma2 semaphore(%arg26 : memref<!tpu.dma_semaphore, #tpu.memory_space<semaphore_mem>>) src(%dma_wait3A_218 : memref<512xf32, #tpu.memory_space<hbm>>) dst(%arg18 : memref<512xf32, #tpu.memory_space<vmem>>)
    %dma_wait3A_219 = arith.constant 0 : i32
    %dma_wait3A_220 = arith.constant 0 : i32
    %dma_wait3A_221 = arith.constant 0 : i32
    %dma_wait3A_222 = arith.constant 0 : i32
    %dma_wait3A_223 = tpu.memref_slice %arg19[%dma_wait3A_219, %dma_wait3A_220, %dma_wait3A_221, %dma_wait3A_222] : memref<10x2x256x16xf32, #tpu.memory_space<vmem>> -> memref<1x1x256x16xf32, #tpu.memory_space<vmem>>
    %dma_wait3A_224 = tpu.memref_squeeze %dma_wait3A_223 : memref<1x1x256x16xf32, #tpu.memory_space<vmem>> -> memref<256x16xf32, #tpu.memory_space<vmem>>
    %dma_wait3A_225 = arith.constant 0 : i32
    %dma_wait3A_226 = arith.constant 0 : i32
    %dma_wait3A_227 = tpu.memref_slice %arg4[%dma_wait3A_225, %dma_wait3A_226] : memref<62500x16xf32, #tpu.memory_space<hbm>> -> memref<62500x16xf32, #tpu.memory_space<hbm>>
    tpu.wait_indirect_dma semaphore(%arg24 : memref<!tpu.dma_semaphore, #tpu.memory_space<semaphore_mem>>) src(%dma_wait3A_227 : memref<62500x16xf32, #tpu.memory_space<hbm>>) dst(%dma_wait3A_224 : memref<256x16xf32, #tpu.memory_space<vmem>>)
    %dma_wait3A_228 = arith.constant 1 : i32
    %dma_wait3A_229 = arith.constant 0 : i32
    %dma_wait3A_230 = arith.constant 0 : i32
    %dma_wait3A_231 = arith.constant 0 : i32
    %dma_wait3A_232 = tpu.memref_slice %arg19[%dma_wait3A_228, %dma_wait3A_229, %dma_wait3A_230, %dma_wait3A_231] : memref<10x2x256x16xf32, #tpu.memory_space<vmem>> -> memref<1x1x256x16xf32, #tpu.memory_space<vmem>>
    %dma_wait3A_233 = tpu.memref_squeeze %dma_wait3A_232 : memref<1x1x256x16xf32, #tpu.memory_space<vmem>> -> memref<256x16xf32, #tpu.memory_space<vmem>>
    %dma_wait3A_234 = arith.constant 0 : i32
    %dma_wait3A_235 = arith.constant 0 : i32
    %dma_wait3A_236 = tpu.memref_slice %arg5[%dma_wait3A_234, %dma_wait3A_235] : memref<62500x16xf32, #tpu.memory_space<hbm>> -> memref<62500x16xf32, #tpu.memory_space<hbm>>
    tpu.wait_indirect_dma semaphore(%arg24 : memref<!tpu.dma_semaphore, #tpu.memory_space<semaphore_mem>>) src(%dma_wait3A_236 : memref<62500x16xf32, #tpu.memory_space<hbm>>) dst(%dma_wait3A_233 : memref<256x16xf32, #tpu.memory_space<vmem>>)
    %dma_wait3A_237 = arith.constant 2 : i32
    %dma_wait3A_238 = arith.constant 0 : i32
    %dma_wait3A_239 = arith.constant 0 : i32
    %dma_wait3A_240 = arith.constant 0 : i32
    %dma_wait3A_241 = tpu.memref_slice %arg19[%dma_wait3A_237, %dma_wait3A_238, %dma_wait3A_239, %dma_wait3A_240] : memref<10x2x256x16xf32, #tpu.memory_space<vmem>> -> memref<1x1x256x16xf32, #tpu.memory_space<vmem>>
    %dma_wait3A_242 = tpu.memref_squeeze %dma_wait3A_241 : memref<1x1x256x16xf32, #tpu.memory_space<vmem>> -> memref<256x16xf32, #tpu.memory_space<vmem>>
    %dma_wait3A_243 = arith.constant 0 : i32
    %dma_wait3A_244 = arith.constant 0 : i32
    %dma_wait3A_245 = tpu.memref_slice %arg6[%dma_wait3A_243, %dma_wait3A_244] : memref<62500x16xf32, #tpu.memory_space<hbm>> -> memref<62500x16xf32, #tpu.memory_space<hbm>>
    tpu.wait_indirect_dma semaphore(%arg24 : memref<!tpu.dma_semaphore, #tpu.memory_space<semaphore_mem>>) src(%dma_wait3A_245 : memref<62500x16xf32, #tpu.memory_space<hbm>>) dst(%dma_wait3A_242 : memref<256x16xf32, #tpu.memory_space<vmem>>)
    %dma_wait3A_246 = arith.constant 3 : i32
    %dma_wait3A_247 = arith.constant 0 : i32
    %dma_wait3A_248 = arith.constant 0 : i32
    %dma_wait3A_249 = arith.constant 0 : i32
    %dma_wait3A_250 = tpu.memref_slice %arg19[%dma_wait3A_246, %dma_wait3A_247, %dma_wait3A_248, %dma_wait3A_249] : memref<10x2x256x16xf32, #tpu.memory_space<vmem>> -> memref<1x1x256x16xf32, #tpu.memory_space<vmem>>
    %dma_wait3A_251 = tpu.memref_squeeze %dma_wait3A_250 : memref<1x1x256x16xf32, #tpu.memory_space<vmem>> -> memref<256x16xf32, #tpu.memory_space<vmem>>
    %dma_wait3A_252 = arith.constant 0 : i32
    %dma_wait3A_253 = arith.constant 0 : i32
    %dma_wait3A_254 = tpu.memref_slice %arg7[%dma_wait3A_252, %dma_wait3A_253] : memref<62500x16xf32, #tpu.memory_space<hbm>> -> memref<62500x16xf32, #tpu.memory_space<hbm>>
    tpu.wait_indirect_dma semaphore(%arg24 : memref<!tpu.dma_semaphore, #tpu.memory_space<semaphore_mem>>) src(%dma_wait3A_254 : memref<62500x16xf32, #tpu.memory_space<hbm>>) dst(%dma_wait3A_251 : memref<256x16xf32, #tpu.memory_space<vmem>>)
    %dma_wait3A_255 = arith.constant 4 : i32
    %dma_wait3A_256 = arith.constant 0 : i32
    %dma_wait3A_257 = arith.constant 0 : i32
    %dma_wait3A_258 = arith.constant 0 : i32
    %dma_wait3A_259 = tpu.memref_slice %arg19[%dma_wait3A_255, %dma_wait3A_256, %dma_wait3A_257, %dma_wait3A_258] : memref<10x2x256x16xf32, #tpu.memory_space<vmem>> -> memref<1x1x256x16xf32, #tpu.memory_space<vmem>>
    %dma_wait3A_260 = tpu.memref_squeeze %dma_wait3A_259 : memref<1x1x256x16xf32, #tpu.memory_space<vmem>> -> memref<256x16xf32, #tpu.memory_space<vmem>>
    %dma_wait3A_261 = arith.constant 0 : i32
    %dma_wait3A_262 = arith.constant 0 : i32
    %dma_wait3A_263 = tpu.memref_slice %arg8[%dma_wait3A_261, %dma_wait3A_262] : memref<62500x16xf32, #tpu.memory_space<hbm>> -> memref<62500x16xf32, #tpu.memory_space<hbm>>
    tpu.wait_indirect_dma semaphore(%arg24 : memref<!tpu.dma_semaphore, #tpu.memory_space<semaphore_mem>>) src(%dma_wait3A_263 : memref<62500x16xf32, #tpu.memory_space<hbm>>) dst(%dma_wait3A_260 : memref<256x16xf32, #tpu.memory_space<vmem>>)
    %dma_wait3A_264 = arith.constant 5 : i32
    %dma_wait3A_265 = arith.constant 0 : i32
    %dma_wait3A_266 = arith.constant 0 : i32
    %dma_wait3A_267 = arith.constant 0 : i32
    %dma_wait3A_268 = tpu.memref_slice %arg19[%dma_wait3A_264, %dma_wait3A_265, %dma_wait3A_266, %dma_wait3A_267] : memref<10x2x256x16xf32, #tpu.memory_space<vmem>> -> memref<1x1x256x16xf32, #tpu.memory_space<vmem>>
    %dma_wait3A_269 = tpu.memref_squeeze %dma_wait3A_268 : memref<1x1x256x16xf32, #tpu.memory_space<vmem>> -> memref<256x16xf32, #tpu.memory_space<vmem>>
    %dma_wait3A_270 = arith.constant 0 : i32
    %dma_wait3A_271 = arith.constant 0 : i32
    %dma_wait3A_272 = tpu.memref_slice %arg9[%dma_wait3A_270, %dma_wait3A_271] : memref<62500x16xf32, #tpu.memory_space<hbm>> -> memref<62500x16xf32, #tpu.memory_space<hbm>>
    tpu.wait_indirect_dma semaphore(%arg24 : memref<!tpu.dma_semaphore, #tpu.memory_space<semaphore_mem>>) src(%dma_wait3A_272 : memref<62500x16xf32, #tpu.memory_space<hbm>>) dst(%dma_wait3A_269 : memref<256x16xf32, #tpu.memory_space<vmem>>)
    %dma_wait3A_273 = arith.constant 6 : i32
    %dma_wait3A_274 = arith.constant 0 : i32
    %dma_wait3A_275 = arith.constant 0 : i32
    %dma_wait3A_276 = arith.constant 0 : i32
    %dma_wait3A_277 = tpu.memref_slice %arg19[%dma_wait3A_273, %dma_wait3A_274, %dma_wait3A_275, %dma_wait3A_276] : memref<10x2x256x16xf32, #tpu.memory_space<vmem>> -> memref<1x1x256x16xf32, #tpu.memory_space<vmem>>
    %dma_wait3A_278 = tpu.memref_squeeze %dma_wait3A_277 : memref<1x1x256x16xf32, #tpu.memory_space<vmem>> -> memref<256x16xf32, #tpu.memory_space<vmem>>
    %dma_wait3A_279 = arith.constant 0 : i32
    %dma_wait3A_280 = arith.constant 0 : i32
    %dma_wait3A_281 = tpu.memref_slice %arg10[%dma_wait3A_279, %dma_wait3A_280] : memref<62500x16xf32, #tpu.memory_space<hbm>> -> memref<62500x16xf32, #tpu.memory_space<hbm>>
    tpu.wait_indirect_dma semaphore(%arg24 : memref<!tpu.dma_semaphore, #tpu.memory_space<semaphore_mem>>) src(%dma_wait3A_281 : memref<62500x16xf32, #tpu.memory_space<hbm>>) dst(%dma_wait3A_278 : memref<256x16xf32, #tpu.memory_space<vmem>>)
    %dma_wait3A_282 = arith.constant 7 : i32
    %dma_wait3A_283 = arith.constant 0 : i32
    %dma_wait3A_284 = arith.constant 0 : i32
    %dma_wait3A_285 = arith.constant 0 : i32
    %dma_wait3A_286 = tpu.memref_slice %arg19[%dma_wait3A_282, %dma_wait3A_283, %dma_wait3A_284, %dma_wait3A_285] : memref<10x2x256x16xf32, #tpu.memory_space<vmem>> -> memref<1x1x256x16xf32, #tpu.memory_space<vmem>>
    %dma_wait3A_287 = tpu.memref_squeeze %dma_wait3A_286 : memref<1x1x256x16xf32, #tpu.memory_space<vmem>> -> memref<256x16xf32, #tpu.memory_space<vmem>>
    %dma_wait3A_288 = arith.constant 0 : i32
    %dma_wait3A_289 = arith.constant 0 : i32
    %dma_wait3A_290 = tpu.memref_slice %arg11[%dma_wait3A_288, %dma_wait3A_289] : memref<62500x16xf32, #tpu.memory_space<hbm>> -> memref<62500x16xf32, #tpu.memory_space<hbm>>
    tpu.wait_indirect_dma semaphore(%arg24 : memref<!tpu.dma_semaphore, #tpu.memory_space<semaphore_mem>>) src(%dma_wait3A_290 : memref<62500x16xf32, #tpu.memory_space<hbm>>) dst(%dma_wait3A_287 : memref<256x16xf32, #tpu.memory_space<vmem>>)
    %dma_wait3A_291 = arith.constant 8 : i32
    %dma_wait3A_292 = arith.constant 0 : i32
    %dma_wait3A_293 = arith.constant 0 : i32
    %dma_wait3A_294 = arith.constant 0 : i32
    %dma_wait3A_295 = tpu.memref_slice %arg19[%dma_wait3A_291, %dma_wait3A_292, %dma_wait3A_293, %dma_wait3A_294] : memref<10x2x256x16xf32, #tpu.memory_space<vmem>> -> memref<1x1x256x16xf32, #tpu.memory_space<vmem>>
    %dma_wait3A_296 = tpu.memref_squeeze %dma_wait3A_295 : memref<1x1x256x16xf32, #tpu.memory_space<vmem>> -> memref<256x16xf32, #tpu.memory_space<vmem>>
    %dma_wait3A_297 = arith.constant 0 : i32
    %dma_wait3A_298 = arith.constant 0 : i32
    %dma_wait3A_299 = tpu.memref_slice %arg12[%dma_wait3A_297, %dma_wait3A_298] : memref<62500x16xf32, #tpu.memory_space<hbm>> -> memref<62500x16xf32, #tpu.memory_space<hbm>>
    tpu.wait_indirect_dma semaphore(%arg24 : memref<!tpu.dma_semaphore, #tpu.memory_space<semaphore_mem>>) src(%dma_wait3A_299 : memref<62500x16xf32, #tpu.memory_space<hbm>>) dst(%dma_wait3A_296 : memref<256x16xf32, #tpu.memory_space<vmem>>)
    %dma_wait3A_300 = arith.constant 9 : i32
    %dma_wait3A_301 = arith.constant 0 : i32
    %dma_wait3A_302 = arith.constant 0 : i32
    %dma_wait3A_303 = arith.constant 0 : i32
    %dma_wait3A_304 = tpu.memref_slice %arg19[%dma_wait3A_300, %dma_wait3A_301, %dma_wait3A_302, %dma_wait3A_303] : memref<10x2x256x16xf32, #tpu.memory_space<vmem>> -> memref<1x1x256x16xf32, #tpu.memory_space<vmem>>
    %dma_wait3A_305 = tpu.memref_squeeze %dma_wait3A_304 : memref<1x1x256x16xf32, #tpu.memory_space<vmem>> -> memref<256x16xf32, #tpu.memory_space<vmem>>
    %dma_wait3A_306 = arith.constant 0 : i32
    %dma_wait3A_307 = arith.constant 0 : i32
    %dma_wait3A_308 = tpu.memref_slice %arg13[%dma_wait3A_306, %dma_wait3A_307] : memref<62500x16xf32, #tpu.memory_space<hbm>> -> memref<62500x16xf32, #tpu.memory_space<hbm>>
    tpu.wait_indirect_dma semaphore(%arg24 : memref<!tpu.dma_semaphore, #tpu.memory_space<semaphore_mem>>) src(%dma_wait3A_308 : memref<62500x16xf32, #tpu.memory_space<hbm>>) dst(%dma_wait3A_305 : memref<256x16xf32, #tpu.memory_space<vmem>>)
    %parallel_loop3A_309 = arith.constant 0 : i32
    %parallel_loop3A_310 = arith.constant 256 : i32
    %parallel_loop3A_311 = arith.constant 16 : i32
    scf.for %parallel_loop3A_477 = %parallel_loop3A_309 to %parallel_loop3A_310 step %parallel_loop3A_311  : i32 {
      %parallel_loop3A_478 = vector.broadcast %parallel_loop3A_477 : i32 to vector<16xi32>
      %parallel_loop3A_479 = arith.addi %iota3A, %parallel_loop3A_478 : vector<16xi32>
      %parallel_loop3A_480 = arith.constant 0 : i32
      %parallel_loop3A_481 = arith.addi %parallel_loop3A_480, %parallel_loop3A_477 : i32
      %parallel_loop3A_482 = arith.index_cast %parallel_loop3A_481 : i32 to index
      %parallel_loop3A_483 = tpu.vector_load %arg15[%parallel_loop3A_482] {strides = array<i32>} : memref<512xi32, #tpu.memory_space<vmem>>, vector<16xi32>,
      %parallel_loop3A_484 = arith.andi %parallel_loop3A_483, %broadcast_in_dim3A_20 : vector<16xi32>
      %parallel_loop3A_485 = arith.index_cast %parallel_loop3A_481 : i32 to index
      %parallel_loop3A_486 = tpu.vector_load %arg18[%parallel_loop3A_485] {strides = array<i32>} : memref<512xf32, #tpu.memory_space<vmem>>, vector<16xf32>,
      %parallel_loop3A_487 = arith.mulf %parallel_loop3A_486, %parallel_loop3A_486 : vector<16xf32>
      %parallel_loop3A_488 = arith.constant 0 : i32
      %parallel_loop3A_489 = arith.constant 0 : i32
      %parallel_loop3A_490 = arith.constant 0 : i32
      %parallel_loop3A_491 = arith.constant 0 : i32
      %parallel_loop3A_492 = tpu.memref_slice %arg19[%parallel_loop3A_488, %parallel_loop3A_489, %parallel_loop3A_490, %parallel_loop3A_491] : memref<10x2x256x16xf32, #tpu.memory_space<vmem>> -> memref<1x1x256x16xf32, #tpu.memory_space<vmem>>
      %parallel_loop3A_493 = tpu.memref_squeeze %parallel_loop3A_492 : memref<1x1x256x16xf32, #tpu.memory_space<vmem>> -> memref<256x16xf32, #tpu.memory_space<vmem>>
      %parallel_loop3A_494 = tpu.vector_load_idx %parallel_loop3A_493[%parallel_loop3A_479, %parallel_loop3A_484] : memref<256x16xf32, #tpu.memory_space<vmem>>[vector<16xi32>, vector<16xi32>], vector<16xf32>,
      %parallel_loop3A_495 = math.absf %parallel_loop3A_494 : vector<16xf32>
      %parallel_loop3A_496 = arith.mulf %parallel_loop3A_495, %parallel_loop3A_486 : vector<16xf32>
      %parallel_loop3A_497 = arith.constant 1 : i32
      %parallel_loop3A_498 = arith.constant 0 : i32
      %parallel_loop3A_499 = arith.constant 0 : i32
      %parallel_loop3A_500 = arith.constant 0 : i32
      %parallel_loop3A_501 = tpu.memref_slice %arg19[%parallel_loop3A_497, %parallel_loop3A_498, %parallel_loop3A_499, %parallel_loop3A_500] : memref<10x2x256x16xf32, #tpu.memory_space<vmem>> -> memref<1x1x256x16xf32, #tpu.memory_space<vmem>>
      %parallel_loop3A_502 = tpu.memref_squeeze %parallel_loop3A_501 : memref<1x1x256x16xf32, #tpu.memory_space<vmem>> -> memref<256x16xf32, #tpu.memory_space<vmem>>
      %parallel_loop3A_503 = tpu.vector_load_idx %parallel_loop3A_502[%parallel_loop3A_479, %parallel_loop3A_484] : memref<256x16xf32, #tpu.memory_space<vmem>>[vector<16xi32>, vector<16xi32>], vector<16xf32>,
      %parallel_loop3A_504 = arith.addf %parallel_loop3A_496, %parallel_loop3A_503 : vector<16xf32>
      %parallel_loop3A_505 = arith.index_cast %parallel_loop3A_481 : i32 to index
      %parallel_loop3A_506 = tpu.vector_load %arg20[%parallel_loop3A_505] {strides = array<i32>} : memref<512xf32, #tpu.memory_space<vmem>>, vector<16xf32>,
      tpu.vector_store %arg20[%parallel_loop3A_505], %parallel_loop3A_504 {strides = array<i32>} : memref<512xf32, #tpu.memory_space<vmem>>, vector<16xf32>,
      %parallel_loop3A_507 = arith.constant 2 : i32
      %parallel_loop3A_508 = arith.constant 0 : i32
      %parallel_loop3A_509 = arith.constant 0 : i32
      %parallel_loop3A_510 = arith.constant 0 : i32
      %parallel_loop3A_511 = tpu.memref_slice %arg19[%parallel_loop3A_507, %parallel_loop3A_508, %parallel_loop3A_509, %parallel_loop3A_510] : memref<10x2x256x16xf32, #tpu.memory_space<vmem>> -> memref<1x1x256x16xf32, #tpu.memory_space<vmem>>
      %parallel_loop3A_512 = tpu.memref_squeeze %parallel_loop3A_511 : memref<1x1x256x16xf32, #tpu.memory_space<vmem>> -> memref<256x16xf32, #tpu.memory_space<vmem>>
      %parallel_loop3A_513 = tpu.vector_load_idx %parallel_loop3A_512[%parallel_loop3A_479, %parallel_loop3A_484] : memref<256x16xf32, #tpu.memory_space<vmem>>[vector<16xi32>, vector<16xi32>], vector<16xf32>,
      %parallel_loop3A_514 = math.absf %parallel_loop3A_513 : vector<16xf32>
      %parallel_loop3A_515 = arith.mulf %parallel_loop3A_514, %parallel_loop3A_486 : vector<16xf32>
      %parallel_loop3A_516 = arith.constant 0.000000e+00 : f32
      %parallel_loop3A_517 = vector.broadcast %parallel_loop3A_516 : f32 to vector<16xf32>
      %parallel_loop3A_518 = arith.subf %parallel_loop3A_517, %parallel_loop3A_515 : vector<16xf32>
      %parallel_loop3A_519 = arith.constant 3 : i32
      %parallel_loop3A_520 = arith.constant 0 : i32
      %parallel_loop3A_521 = arith.constant 0 : i32
      %parallel_loop3A_522 = arith.constant 0 : i32
      %parallel_loop3A_523 = tpu.memref_slice %arg19[%parallel_loop3A_519, %parallel_loop3A_520, %parallel_loop3A_521, %parallel_loop3A_522] : memref<10x2x256x16xf32, #tpu.memory_space<vmem>> -> memref<1x1x256x16xf32, #tpu.memory_space<vmem>>
      %parallel_loop3A_524 = tpu.memref_squeeze %parallel_loop3A_523 : memref<1x1x256x16xf32, #tpu.memory_space<vmem>> -> memref<256x16xf32, #tpu.memory_space<vmem>>
      %parallel_loop3A_525 = tpu.vector_load_idx %parallel_loop3A_524[%parallel_loop3A_479, %parallel_loop3A_484] : memref<256x16xf32, #tpu.memory_space<vmem>>[vector<16xi32>, vector<16xi32>], vector<16xf32>,
      %parallel_loop3A_526 = arith.addf %parallel_loop3A_518, %parallel_loop3A_525 : vector<16xf32>
      %parallel_loop3A_527 = arith.index_cast %parallel_loop3A_481 : i32 to index
      %parallel_loop3A_528 = tpu.vector_load %arg21[%parallel_loop3A_527] {strides = array<i32>} : memref<512xf32, #tpu.memory_space<vmem>>, vector<16xf32>,
      tpu.vector_store %arg21[%parallel_loop3A_527], %parallel_loop3A_526 {strides = array<i32>} : memref<512xf32, #tpu.memory_space<vmem>>, vector<16xf32>,
      %parallel_loop3A_529 = arith.constant 4 : i32
      %parallel_loop3A_530 = arith.constant 0 : i32
      %parallel_loop3A_531 = arith.constant 0 : i32
      %parallel_loop3A_532 = arith.constant 0 : i32
      %parallel_loop3A_533 = tpu.memref_slice %arg19[%parallel_loop3A_529, %parallel_loop3A_530, %parallel_loop3A_531, %parallel_loop3A_532] : memref<10x2x256x16xf32, #tpu.memory_space<vmem>> -> memref<1x1x256x16xf32, #tpu.memory_space<vmem>>
      %parallel_loop3A_534 = tpu.memref_squeeze %parallel_loop3A_533 : memref<1x1x256x16xf32, #tpu.memory_space<vmem>> -> memref<256x16xf32, #tpu.memory_space<vmem>>
      %parallel_loop3A_535 = tpu.vector_load_idx %parallel_loop3A_534[%parallel_loop3A_479, %parallel_loop3A_484] : memref<256x16xf32, #tpu.memory_space<vmem>>[vector<16xi32>, vector<16xi32>], vector<16xf32>,
      %parallel_loop3A_536 = math.absf %parallel_loop3A_535 : vector<16xf32>
      %parallel_loop3A_537 = arith.mulf %parallel_loop3A_536, %parallel_loop3A_487 : vector<16xf32>
      %parallel_loop3A_538 = arith.constant 5 : i32
      %parallel_loop3A_539 = arith.constant 0 : i32
      %parallel_loop3A_540 = arith.constant 0 : i32
      %parallel_loop3A_541 = arith.constant 0 : i32
      %parallel_loop3A_542 = tpu.memref_slice %arg19[%parallel_loop3A_538, %parallel_loop3A_539, %parallel_loop3A_540, %parallel_loop3A_541] : memref<10x2x256x16xf32, #tpu.memory_space<vmem>> -> memref<1x1x256x16xf32, #tpu.memory_space<vmem>>
      %parallel_loop3A_543 = tpu.memref_squeeze %parallel_loop3A_542 : memref<1x1x256x16xf32, #tpu.memory_space<vmem>> -> memref<256x16xf32, #tpu.memory_space<vmem>>
      %parallel_loop3A_544 = tpu.vector_load_idx %parallel_loop3A_543[%parallel_loop3A_479, %parallel_loop3A_484] : memref<256x16xf32, #tpu.memory_space<vmem>>[vector<16xi32>, vector<16xi32>], vector<16xf32>,
      %parallel_loop3A_545 = arith.mulf %parallel_loop3A_544, %parallel_loop3A_486 : vector<16xf32>
      %parallel_loop3A_546 = arith.addf %parallel_loop3A_537, %parallel_loop3A_545 : vector<16xf32>
      %parallel_loop3A_547 = arith.constant 6 : i32
      %parallel_loop3A_548 = arith.constant 0 : i32
      %parallel_loop3A_549 = arith.constant 0 : i32
      %parallel_loop3A_550 = arith.constant 0 : i32
      %parallel_loop3A_551 = tpu.memref_slice %arg19[%parallel_loop3A_547, %parallel_loop3A_548, %parallel_loop3A_549, %parallel_loop3A_550] : memref<10x2x256x16xf32, #tpu.memory_space<vmem>> -> memref<1x1x256x16xf32, #tpu.memory_space<vmem>>
      %parallel_loop3A_552 = tpu.memref_squeeze %parallel_loop3A_551 : memref<1x1x256x16xf32, #tpu.memory_space<vmem>> -> memref<256x16xf32, #tpu.memory_space<vmem>>
      %parallel_loop3A_553 = tpu.vector_load_idx %parallel_loop3A_552[%parallel_loop3A_479, %parallel_loop3A_484] : memref<256x16xf32, #tpu.memory_space<vmem>>[vector<16xi32>, vector<16xi32>], vector<16xf32>,
      %parallel_loop3A_554 = arith.addf %parallel_loop3A_546, %parallel_loop3A_553 : vector<16xf32>
      %parallel_loop3A_555 = arith.index_cast %parallel_loop3A_481 : i32 to index
      %parallel_loop3A_556 = tpu.vector_load %arg22[%parallel_loop3A_555] {strides = array<i32>} : memref<512xf32, #tpu.memory_space<vmem>>, vector<16xf32>,
      tpu.vector_store %arg22[%parallel_loop3A_555], %parallel_loop3A_554 {strides = array<i32>} : memref<512xf32, #tpu.memory_space<vmem>>, vector<16xf32>,
      %parallel_loop3A_557 = arith.constant 7 : i32
      %parallel_loop3A_558 = arith.constant 0 : i32
      %parallel_loop3A_559 = arith.constant 0 : i32
      %parallel_loop3A_560 = arith.constant 0 : i32
      %parallel_loop3A_561 = tpu.memref_slice %arg19[%parallel_loop3A_557, %parallel_loop3A_558, %parallel_loop3A_559, %parallel_loop3A_560] : memref<10x2x256x16xf32, #tpu.memory_space<vmem>> -> memref<1x1x256x16xf32, #tpu.memory_space<vmem>>
      %parallel_loop3A_562 = tpu.memref_squeeze %parallel_loop3A_561 : memref<1x1x256x16xf32, #tpu.memory_space<vmem>> -> memref<256x16xf32, #tpu.memory_space<vmem>>
      %parallel_loop3A_563 = tpu.vector_load_idx %parallel_loop3A_562[%parallel_loop3A_479, %parallel_loop3A_484] : memref<256x16xf32, #tpu.memory_space<vmem>>[vector<16xi32>, vector<16xi32>], vector<16xf32>,
      %parallel_loop3A_564 = math.absf %parallel_loop3A_563 : vector<16xf32>
      %parallel_loop3A_565 = arith.mulf %parallel_loop3A_564, %parallel_loop3A_487 : vector<16xf32>
      %parallel_loop3A_566 = arith.constant 0.000000e+00 : f32
      %parallel_loop3A_567 = vector.broadcast %parallel_loop3A_566 : f32 to vector<16xf32>
      %parallel_loop3A_568 = arith.subf %parallel_loop3A_567, %parallel_loop3A_565 : vector<16xf32>
      %parallel_loop3A_569 = arith.constant 8 : i32
      %parallel_loop3A_570 = arith.constant 0 : i32
      %parallel_loop3A_571 = arith.constant 0 : i32
      %parallel_loop3A_572 = arith.constant 0 : i32
      %parallel_loop3A_573 = tpu.memref_slice %arg19[%parallel_loop3A_569, %parallel_loop3A_570, %parallel_loop3A_571, %parallel_loop3A_572] : memref<10x2x256x16xf32, #tpu.memory_space<vmem>> -> memref<1x1x256x16xf32, #tpu.memory_space<vmem>>
      %parallel_loop3A_574 = tpu.memref_squeeze %parallel_loop3A_573 : memref<1x1x256x16xf32, #tpu.memory_space<vmem>> -> memref<256x16xf32, #tpu.memory_space<vmem>>
      %parallel_loop3A_575 = tpu.vector_load_idx %parallel_loop3A_574[%parallel_loop3A_479, %parallel_loop3A_484] : memref<256x16xf32, #tpu.memory_space<vmem>>[vector<16xi32>, vector<16xi32>], vector<16xf32>,
      %parallel_loop3A_576 = arith.mulf %parallel_loop3A_575, %parallel_loop3A_486 : vector<16xf32>
      %parallel_loop3A_577 = arith.addf %parallel_loop3A_568, %parallel_loop3A_576 : vector<16xf32>
      %parallel_loop3A_578 = arith.constant 9 : i32
      %parallel_loop3A_579 = arith.constant 0 : i32
      %parallel_loop3A_580 = arith.constant 0 : i32
      %parallel_loop3A_581 = arith.constant 0 : i32
      %parallel_loop3A_582 = tpu.memref_slice %arg19[%parallel_loop3A_578, %parallel_loop3A_579, %parallel_loop3A_580, %parallel_loop3A_581] : memref<10x2x256x16xf32, #tpu.memory_space<vmem>> -> memref<1x1x256x16xf32, #tpu.memory_space<vmem>>
      %parallel_loop3A_583 = tpu.memref_squeeze %parallel_loop3A_582 : memref<1x1x256x16xf32, #tpu.memory_space<vmem>> -> memref<256x16xf32, #tpu.memory_space<vmem>>
      %parallel_loop3A_584 = tpu.vector_load_idx %parallel_loop3A_583[%parallel_loop3A_479, %parallel_loop3A_484] : memref<256x16xf32, #tpu.memory_space<vmem>>[vector<16xi32>, vector<16xi32>], vector<16xf32>,
      %parallel_loop3A_585 = arith.addf %parallel_loop3A_577, %parallel_loop3A_584 : vector<16xf32>
      %parallel_loop3A_586 = arith.index_cast %parallel_loop3A_481 : i32 to index
      %parallel_loop3A_587 = tpu.vector_load %arg23[%parallel_loop3A_586] {strides = array<i32>} : memref<512xf32, #tpu.memory_space<vmem>>, vector<16xf32>,
      tpu.vector_store %arg23[%parallel_loop3A_586], %parallel_loop3A_585 {strides = array<i32>} : memref<512xf32, #tpu.memory_space<vmem>>, vector<16xf32>,
    } {sc.loop_unroll_factor = 1 : i64, sc.parallel_access}
    %dma_wait3A_312 = arith.constant 0 : i32
    %dma_wait3A_313 = arith.constant 1 : i32
    %dma_wait3A_314 = arith.constant 0 : i32
    %dma_wait3A_315 = arith.constant 0 : i32
    %dma_wait3A_316 = tpu.memref_slice %arg19[%dma_wait3A_312, %dma_wait3A_313, %dma_wait3A_314, %dma_wait3A_315] : memref<10x2x256x16xf32, #tpu.memory_space<vmem>> -> memref<1x1x256x16xf32, #tpu.memory_space<vmem>>
    %dma_wait3A_317 = tpu.memref_squeeze %dma_wait3A_316 : memref<1x1x256x16xf32, #tpu.memory_space<vmem>> -> memref<256x16xf32, #tpu.memory_space<vmem>>
    %dma_wait3A_318 = arith.constant 0 : i32
    %dma_wait3A_319 = arith.constant 0 : i32
    %dma_wait3A_320 = tpu.memref_slice %arg4[%dma_wait3A_318, %dma_wait3A_319] : memref<62500x16xf32, #tpu.memory_space<hbm>> -> memref<62500x16xf32, #tpu.memory_space<hbm>>
    tpu.wait_indirect_dma semaphore(%arg25 : memref<!tpu.dma_semaphore, #tpu.memory_space<semaphore_mem>>) src(%dma_wait3A_320 : memref<62500x16xf32, #tpu.memory_space<hbm>>) dst(%dma_wait3A_317 : memref<256x16xf32, #tpu.memory_space<vmem>>)
    %dma_wait3A_321 = arith.constant 1 : i32
    %dma_wait3A_322 = arith.constant 1 : i32
    %dma_wait3A_323 = arith.constant 0 : i32
    %dma_wait3A_324 = arith.constant 0 : i32
    %dma_wait3A_325 = tpu.memref_slice %arg19[%dma_wait3A_321, %dma_wait3A_322, %dma_wait3A_323, %dma_wait3A_324] : memref<10x2x256x16xf32, #tpu.memory_space<vmem>> -> memref<1x1x256x16xf32, #tpu.memory_space<vmem>>
    %dma_wait3A_326 = tpu.memref_squeeze %dma_wait3A_325 : memref<1x1x256x16xf32, #tpu.memory_space<vmem>> -> memref<256x16xf32, #tpu.memory_space<vmem>>
    %dma_wait3A_327 = arith.constant 0 : i32
    %dma_wait3A_328 = arith.constant 0 : i32
    %dma_wait3A_329 = tpu.memref_slice %arg5[%dma_wait3A_327, %dma_wait3A_328] : memref<62500x16xf32, #tpu.memory_space<hbm>> -> memref<62500x16xf32, #tpu.memory_space<hbm>>
    tpu.wait_indirect_dma semaphore(%arg25 : memref<!tpu.dma_semaphore, #tpu.memory_space<semaphore_mem>>) src(%dma_wait3A_329 : memref<62500x16xf32, #tpu.memory_space<hbm>>) dst(%dma_wait3A_326 : memref<256x16xf32, #tpu.memory_space<vmem>>)
    %dma_wait3A_330 = arith.constant 2 : i32
    %dma_wait3A_331 = arith.constant 1 : i32
    %dma_wait3A_332 = arith.constant 0 : i32
    %dma_wait3A_333 = arith.constant 0 : i32
    %dma_wait3A_334 = tpu.memref_slice %arg19[%dma_wait3A_330, %dma_wait3A_331, %dma_wait3A_332, %dma_wait3A_333] : memref<10x2x256x16xf32, #tpu.memory_space<vmem>> -> memref<1x1x256x16xf32, #tpu.memory_space<vmem>>
    %dma_wait3A_335 = tpu.memref_squeeze %dma_wait3A_334 : memref<1x1x256x16xf32, #tpu.memory_space<vmem>> -> memref<256x16xf32, #tpu.memory_space<vmem>>
    %dma_wait3A_336 = arith.constant 0 : i32
    %dma_wait3A_337 = arith.constant 0 : i32
    %dma_wait3A_338 = tpu.memref_slice %arg6[%dma_wait3A_336, %dma_wait3A_337] : memref<62500x16xf32, #tpu.memory_space<hbm>> -> memref<62500x16xf32, #tpu.memory_space<hbm>>
    tpu.wait_indirect_dma semaphore(%arg25 : memref<!tpu.dma_semaphore, #tpu.memory_space<semaphore_mem>>) src(%dma_wait3A_338 : memref<62500x16xf32, #tpu.memory_space<hbm>>) dst(%dma_wait3A_335 : memref<256x16xf32, #tpu.memory_space<vmem>>)
    %dma_wait3A_339 = arith.constant 3 : i32
    %dma_wait3A_340 = arith.constant 1 : i32
    %dma_wait3A_341 = arith.constant 0 : i32
    %dma_wait3A_342 = arith.constant 0 : i32
    %dma_wait3A_343 = tpu.memref_slice %arg19[%dma_wait3A_339, %dma_wait3A_340, %dma_wait3A_341, %dma_wait3A_342] : memref<10x2x256x16xf32, #tpu.memory_space<vmem>> -> memref<1x1x256x16xf32, #tpu.memory_space<vmem>>
    %dma_wait3A_344 = tpu.memref_squeeze %dma_wait3A_343 : memref<1x1x256x16xf32, #tpu.memory_space<vmem>> -> memref<256x16xf32, #tpu.memory_space<vmem>>
    %dma_wait3A_345 = arith.constant 0 : i32
    %dma_wait3A_346 = arith.constant 0 : i32
    %dma_wait3A_347 = tpu.memref_slice %arg7[%dma_wait3A_345, %dma_wait3A_346] : memref<62500x16xf32, #tpu.memory_space<hbm>> -> memref<62500x16xf32, #tpu.memory_space<hbm>>
    tpu.wait_indirect_dma semaphore(%arg25 : memref<!tpu.dma_semaphore, #tpu.memory_space<semaphore_mem>>) src(%dma_wait3A_347 : memref<62500x16xf32, #tpu.memory_space<hbm>>) dst(%dma_wait3A_344 : memref<256x16xf32, #tpu.memory_space<vmem>>)
    %dma_wait3A_348 = arith.constant 4 : i32
    %dma_wait3A_349 = arith.constant 1 : i32
    %dma_wait3A_350 = arith.constant 0 : i32
    %dma_wait3A_351 = arith.constant 0 : i32
    %dma_wait3A_352 = tpu.memref_slice %arg19[%dma_wait3A_348, %dma_wait3A_349, %dma_wait3A_350, %dma_wait3A_351] : memref<10x2x256x16xf32, #tpu.memory_space<vmem>> -> memref<1x1x256x16xf32, #tpu.memory_space<vmem>>
    %dma_wait3A_353 = tpu.memref_squeeze %dma_wait3A_352 : memref<1x1x256x16xf32, #tpu.memory_space<vmem>> -> memref<256x16xf32, #tpu.memory_space<vmem>>
    %dma_wait3A_354 = arith.constant 0 : i32
    %dma_wait3A_355 = arith.constant 0 : i32
    %dma_wait3A_356 = tpu.memref_slice %arg8[%dma_wait3A_354, %dma_wait3A_355] : memref<62500x16xf32, #tpu.memory_space<hbm>> -> memref<62500x16xf32, #tpu.memory_space<hbm>>
    tpu.wait_indirect_dma semaphore(%arg25 : memref<!tpu.dma_semaphore, #tpu.memory_space<semaphore_mem>>) src(%dma_wait3A_356 : memref<62500x16xf32, #tpu.memory_space<hbm>>) dst(%dma_wait3A_353 : memref<256x16xf32, #tpu.memory_space<vmem>>)
    %dma_wait3A_357 = arith.constant 5 : i32
    %dma_wait3A_358 = arith.constant 1 : i32
    %dma_wait3A_359 = arith.constant 0 : i32
    %dma_wait3A_360 = arith.constant 0 : i32
    %dma_wait3A_361 = tpu.memref_slice %arg19[%dma_wait3A_357, %dma_wait3A_358, %dma_wait3A_359, %dma_wait3A_360] : memref<10x2x256x16xf32, #tpu.memory_space<vmem>> -> memref<1x1x256x16xf32, #tpu.memory_space<vmem>>
    %dma_wait3A_362 = tpu.memref_squeeze %dma_wait3A_361 : memref<1x1x256x16xf32, #tpu.memory_space<vmem>> -> memref<256x16xf32, #tpu.memory_space<vmem>>
    %dma_wait3A_363 = arith.constant 0 : i32
    %dma_wait3A_364 = arith.constant 0 : i32
    %dma_wait3A_365 = tpu.memref_slice %arg9[%dma_wait3A_363, %dma_wait3A_364] : memref<62500x16xf32, #tpu.memory_space<hbm>> -> memref<62500x16xf32, #tpu.memory_space<hbm>>
    tpu.wait_indirect_dma semaphore(%arg25 : memref<!tpu.dma_semaphore, #tpu.memory_space<semaphore_mem>>) src(%dma_wait3A_365 : memref<62500x16xf32, #tpu.memory_space<hbm>>) dst(%dma_wait3A_362 : memref<256x16xf32, #tpu.memory_space<vmem>>)
    %dma_wait3A_366 = arith.constant 6 : i32
    %dma_wait3A_367 = arith.constant 1 : i32
    %dma_wait3A_368 = arith.constant 0 : i32
    %dma_wait3A_369 = arith.constant 0 : i32
    %dma_wait3A_370 = tpu.memref_slice %arg19[%dma_wait3A_366, %dma_wait3A_367, %dma_wait3A_368, %dma_wait3A_369] : memref<10x2x256x16xf32, #tpu.memory_space<vmem>> -> memref<1x1x256x16xf32, #tpu.memory_space<vmem>>
    %dma_wait3A_371 = tpu.memref_squeeze %dma_wait3A_370 : memref<1x1x256x16xf32, #tpu.memory_space<vmem>> -> memref<256x16xf32, #tpu.memory_space<vmem>>
    %dma_wait3A_372 = arith.constant 0 : i32
    %dma_wait3A_373 = arith.constant 0 : i32
    %dma_wait3A_374 = tpu.memref_slice %arg10[%dma_wait3A_372, %dma_wait3A_373] : memref<62500x16xf32, #tpu.memory_space<hbm>> -> memref<62500x16xf32, #tpu.memory_space<hbm>>
    tpu.wait_indirect_dma semaphore(%arg25 : memref<!tpu.dma_semaphore, #tpu.memory_space<semaphore_mem>>) src(%dma_wait3A_374 : memref<62500x16xf32, #tpu.memory_space<hbm>>) dst(%dma_wait3A_371 : memref<256x16xf32, #tpu.memory_space<vmem>>)
    %dma_wait3A_375 = arith.constant 7 : i32
    %dma_wait3A_376 = arith.constant 1 : i32
    %dma_wait3A_377 = arith.constant 0 : i32
    %dma_wait3A_378 = arith.constant 0 : i32
    %dma_wait3A_379 = tpu.memref_slice %arg19[%dma_wait3A_375, %dma_wait3A_376, %dma_wait3A_377, %dma_wait3A_378] : memref<10x2x256x16xf32, #tpu.memory_space<vmem>> -> memref<1x1x256x16xf32, #tpu.memory_space<vmem>>
    %dma_wait3A_380 = tpu.memref_squeeze %dma_wait3A_379 : memref<1x1x256x16xf32, #tpu.memory_space<vmem>> -> memref<256x16xf32, #tpu.memory_space<vmem>>
    %dma_wait3A_381 = arith.constant 0 : i32
    %dma_wait3A_382 = arith.constant 0 : i32
    %dma_wait3A_383 = tpu.memref_slice %arg11[%dma_wait3A_381, %dma_wait3A_382] : memref<62500x16xf32, #tpu.memory_space<hbm>> -> memref<62500x16xf32, #tpu.memory_space<hbm>>
    tpu.wait_indirect_dma semaphore(%arg25 : memref<!tpu.dma_semaphore, #tpu.memory_space<semaphore_mem>>) src(%dma_wait3A_383 : memref<62500x16xf32, #tpu.memory_space<hbm>>) dst(%dma_wait3A_380 : memref<256x16xf32, #tpu.memory_space<vmem>>)
    %dma_wait3A_384 = arith.constant 8 : i32
    %dma_wait3A_385 = arith.constant 1 : i32
    %dma_wait3A_386 = arith.constant 0 : i32
    %dma_wait3A_387 = arith.constant 0 : i32
    %dma_wait3A_388 = tpu.memref_slice %arg19[%dma_wait3A_384, %dma_wait3A_385, %dma_wait3A_386, %dma_wait3A_387] : memref<10x2x256x16xf32, #tpu.memory_space<vmem>> -> memref<1x1x256x16xf32, #tpu.memory_space<vmem>>
    %dma_wait3A_389 = tpu.memref_squeeze %dma_wait3A_388 : memref<1x1x256x16xf32, #tpu.memory_space<vmem>> -> memref<256x16xf32, #tpu.memory_space<vmem>>
    %dma_wait3A_390 = arith.constant 0 : i32
    %dma_wait3A_391 = arith.constant 0 : i32
    %dma_wait3A_392 = tpu.memref_slice %arg12[%dma_wait3A_390, %dma_wait3A_391] : memref<62500x16xf32, #tpu.memory_space<hbm>> -> memref<62500x16xf32, #tpu.memory_space<hbm>>
    tpu.wait_indirect_dma semaphore(%arg25 : memref<!tpu.dma_semaphore, #tpu.memory_space<semaphore_mem>>) src(%dma_wait3A_392 : memref<62500x16xf32, #tpu.memory_space<hbm>>) dst(%dma_wait3A_389 : memref<256x16xf32, #tpu.memory_space<vmem>>)
    %dma_wait3A_393 = arith.constant 9 : i32
    %dma_wait3A_394 = arith.constant 1 : i32
    %dma_wait3A_395 = arith.constant 0 : i32
    %dma_wait3A_396 = arith.constant 0 : i32
    %dma_wait3A_397 = tpu.memref_slice %arg19[%dma_wait3A_393, %dma_wait3A_394, %dma_wait3A_395, %dma_wait3A_396] : memref<10x2x256x16xf32, #tpu.memory_space<vmem>> -> memref<1x1x256x16xf32, #tpu.memory_space<vmem>>
    %dma_wait3A_398 = tpu.memref_squeeze %dma_wait3A_397 : memref<1x1x256x16xf32, #tpu.memory_space<vmem>> -> memref<256x16xf32, #tpu.memory_space<vmem>>
    %dma_wait3A_399 = arith.constant 0 : i32
    %dma_wait3A_400 = arith.constant 0 : i32
    %dma_wait3A_401 = tpu.memref_slice %arg13[%dma_wait3A_399, %dma_wait3A_400] : memref<62500x16xf32, #tpu.memory_space<hbm>> -> memref<62500x16xf32, #tpu.memory_space<hbm>>
    tpu.wait_indirect_dma semaphore(%arg25 : memref<!tpu.dma_semaphore, #tpu.memory_space<semaphore_mem>>) src(%dma_wait3A_401 : memref<62500x16xf32, #tpu.memory_space<hbm>>) dst(%dma_wait3A_398 : memref<256x16xf32, #tpu.memory_space<vmem>>)
    %parallel_loop3A_402 = arith.constant 0 : i32
    %parallel_loop3A_403 = arith.constant 256 : i32
    %parallel_loop3A_404 = arith.constant 16 : i32
    scf.for %parallel_loop3A_477 = %parallel_loop3A_402 to %parallel_loop3A_403 step %parallel_loop3A_404  : i32 {
      %parallel_loop3A_478 = vector.broadcast %parallel_loop3A_477 : i32 to vector<16xi32>
      %parallel_loop3A_479 = arith.addi %iota3A, %parallel_loop3A_478 : vector<16xi32>
      %parallel_loop3A_480 = arith.constant 256 : i32
      %parallel_loop3A_481 = arith.addi %parallel_loop3A_480, %parallel_loop3A_477 : i32
      %parallel_loop3A_482 = arith.index_cast %parallel_loop3A_481 : i32 to index
      %parallel_loop3A_483 = tpu.vector_load %arg15[%parallel_loop3A_482] {strides = array<i32>} : memref<512xi32, #tpu.memory_space<vmem>>, vector<16xi32>,
      %parallel_loop3A_484 = arith.andi %parallel_loop3A_483, %broadcast_in_dim3A_20 : vector<16xi32>
      %parallel_loop3A_485 = arith.index_cast %parallel_loop3A_481 : i32 to index
      %parallel_loop3A_486 = tpu.vector_load %arg18[%parallel_loop3A_485] {strides = array<i32>} : memref<512xf32, #tpu.memory_space<vmem>>, vector<16xf32>,
      %parallel_loop3A_487 = arith.mulf %parallel_loop3A_486, %parallel_loop3A_486 : vector<16xf32>
      %parallel_loop3A_488 = arith.constant 0 : i32
      %parallel_loop3A_489 = arith.constant 1 : i32
      %parallel_loop3A_490 = arith.constant 0 : i32
      %parallel_loop3A_491 = arith.constant 0 : i32
      %parallel_loop3A_492 = tpu.memref_slice %arg19[%parallel_loop3A_488, %parallel_loop3A_489, %parallel_loop3A_490, %parallel_loop3A_491] : memref<10x2x256x16xf32, #tpu.memory_space<vmem>> -> memref<1x1x256x16xf32, #tpu.memory_space<vmem>>
      %parallel_loop3A_493 = tpu.memref_squeeze %parallel_loop3A_492 : memref<1x1x256x16xf32, #tpu.memory_space<vmem>> -> memref<256x16xf32, #tpu.memory_space<vmem>>
      %parallel_loop3A_494 = tpu.vector_load_idx %parallel_loop3A_493[%parallel_loop3A_479, %parallel_loop3A_484] : memref<256x16xf32, #tpu.memory_space<vmem>>[vector<16xi32>, vector<16xi32>], vector<16xf32>,
      %parallel_loop3A_495 = math.absf %parallel_loop3A_494 : vector<16xf32>
      %parallel_loop3A_496 = arith.mulf %parallel_loop3A_495, %parallel_loop3A_486 : vector<16xf32>
      %parallel_loop3A_497 = arith.constant 1 : i32
      %parallel_loop3A_498 = arith.constant 1 : i32
      %parallel_loop3A_499 = arith.constant 0 : i32
      %parallel_loop3A_500 = arith.constant 0 : i32
      %parallel_loop3A_501 = tpu.memref_slice %arg19[%parallel_loop3A_497, %parallel_loop3A_498, %parallel_loop3A_499, %parallel_loop3A_500] : memref<10x2x256x16xf32, #tpu.memory_space<vmem>> -> memref<1x1x256x16xf32, #tpu.memory_space<vmem>>
      %parallel_loop3A_502 = tpu.memref_squeeze %parallel_loop3A_501 : memref<1x1x256x16xf32, #tpu.memory_space<vmem>> -> memref<256x16xf32, #tpu.memory_space<vmem>>
      %parallel_loop3A_503 = tpu.vector_load_idx %parallel_loop3A_502[%parallel_loop3A_479, %parallel_loop3A_484] : memref<256x16xf32, #tpu.memory_space<vmem>>[vector<16xi32>, vector<16xi32>], vector<16xf32>,
      %parallel_loop3A_504 = arith.addf %parallel_loop3A_496, %parallel_loop3A_503 : vector<16xf32>
      %parallel_loop3A_505 = arith.index_cast %parallel_loop3A_481 : i32 to index
      %parallel_loop3A_506 = tpu.vector_load %arg20[%parallel_loop3A_505] {strides = array<i32>} : memref<512xf32, #tpu.memory_space<vmem>>, vector<16xf32>,
      tpu.vector_store %arg20[%parallel_loop3A_505], %parallel_loop3A_504 {strides = array<i32>} : memref<512xf32, #tpu.memory_space<vmem>>, vector<16xf32>,
      %parallel_loop3A_507 = arith.constant 2 : i32
      %parallel_loop3A_508 = arith.constant 1 : i32
      %parallel_loop3A_509 = arith.constant 0 : i32
      %parallel_loop3A_510 = arith.constant 0 : i32
      %parallel_loop3A_511 = tpu.memref_slice %arg19[%parallel_loop3A_507, %parallel_loop3A_508, %parallel_loop3A_509, %parallel_loop3A_510] : memref<10x2x256x16xf32, #tpu.memory_space<vmem>> -> memref<1x1x256x16xf32, #tpu.memory_space<vmem>>
      %parallel_loop3A_512 = tpu.memref_squeeze %parallel_loop3A_511 : memref<1x1x256x16xf32, #tpu.memory_space<vmem>> -> memref<256x16xf32, #tpu.memory_space<vmem>>
      %parallel_loop3A_513 = tpu.vector_load_idx %parallel_loop3A_512[%parallel_loop3A_479, %parallel_loop3A_484] : memref<256x16xf32, #tpu.memory_space<vmem>>[vector<16xi32>, vector<16xi32>], vector<16xf32>,
      %parallel_loop3A_514 = math.absf %parallel_loop3A_513 : vector<16xf32>
      %parallel_loop3A_515 = arith.mulf %parallel_loop3A_514, %parallel_loop3A_486 : vector<16xf32>
      %parallel_loop3A_516 = arith.constant 0.000000e+00 : f32
      %parallel_loop3A_517 = vector.broadcast %parallel_loop3A_516 : f32 to vector<16xf32>
      %parallel_loop3A_518 = arith.subf %parallel_loop3A_517, %parallel_loop3A_515 : vector<16xf32>
      %parallel_loop3A_519 = arith.constant 3 : i32
      %parallel_loop3A_520 = arith.constant 1 : i32
      %parallel_loop3A_521 = arith.constant 0 : i32
      %parallel_loop3A_522 = arith.constant 0 : i32
      %parallel_loop3A_523 = tpu.memref_slice %arg19[%parallel_loop3A_519, %parallel_loop3A_520, %parallel_loop3A_521, %parallel_loop3A_522] : memref<10x2x256x16xf32, #tpu.memory_space<vmem>> -> memref<1x1x256x16xf32, #tpu.memory_space<vmem>>
      %parallel_loop3A_524 = tpu.memref_squeeze %parallel_loop3A_523 : memref<1x1x256x16xf32, #tpu.memory_space<vmem>> -> memref<256x16xf32, #tpu.memory_space<vmem>>
      %parallel_loop3A_525 = tpu.vector_load_idx %parallel_loop3A_524[%parallel_loop3A_479, %parallel_loop3A_484] : memref<256x16xf32, #tpu.memory_space<vmem>>[vector<16xi32>, vector<16xi32>], vector<16xf32>,
      %parallel_loop3A_526 = arith.addf %parallel_loop3A_518, %parallel_loop3A_525 : vector<16xf32>
      %parallel_loop3A_527 = arith.index_cast %parallel_loop3A_481 : i32 to index
      %parallel_loop3A_528 = tpu.vector_load %arg21[%parallel_loop3A_527] {strides = array<i32>} : memref<512xf32, #tpu.memory_space<vmem>>, vector<16xf32>,
      tpu.vector_store %arg21[%parallel_loop3A_527], %parallel_loop3A_526 {strides = array<i32>} : memref<512xf32, #tpu.memory_space<vmem>>, vector<16xf32>,
      %parallel_loop3A_529 = arith.constant 4 : i32
      %parallel_loop3A_530 = arith.constant 1 : i32
      %parallel_loop3A_531 = arith.constant 0 : i32
      %parallel_loop3A_532 = arith.constant 0 : i32
      %parallel_loop3A_533 = tpu.memref_slice %arg19[%parallel_loop3A_529, %parallel_loop3A_530, %parallel_loop3A_531, %parallel_loop3A_532] : memref<10x2x256x16xf32, #tpu.memory_space<vmem>> -> memref<1x1x256x16xf32, #tpu.memory_space<vmem>>
      %parallel_loop3A_534 = tpu.memref_squeeze %parallel_loop3A_533 : memref<1x1x256x16xf32, #tpu.memory_space<vmem>> -> memref<256x16xf32, #tpu.memory_space<vmem>>
      %parallel_loop3A_535 = tpu.vector_load_idx %parallel_loop3A_534[%parallel_loop3A_479, %parallel_loop3A_484] : memref<256x16xf32, #tpu.memory_space<vmem>>[vector<16xi32>, vector<16xi32>], vector<16xf32>,
      %parallel_loop3A_536 = math.absf %parallel_loop3A_535 : vector<16xf32>
      %parallel_loop3A_537 = arith.mulf %parallel_loop3A_536, %parallel_loop3A_487 : vector<16xf32>
      %parallel_loop3A_538 = arith.constant 5 : i32
      %parallel_loop3A_539 = arith.constant 1 : i32
      %parallel_loop3A_540 = arith.constant 0 : i32
      %parallel_loop3A_541 = arith.constant 0 : i32
      %parallel_loop3A_542 = tpu.memref_slice %arg19[%parallel_loop3A_538, %parallel_loop3A_539, %parallel_loop3A_540, %parallel_loop3A_541] : memref<10x2x256x16xf32, #tpu.memory_space<vmem>> -> memref<1x1x256x16xf32, #tpu.memory_space<vmem>>
      %parallel_loop3A_543 = tpu.memref_squeeze %parallel_loop3A_542 : memref<1x1x256x16xf32, #tpu.memory_space<vmem>> -> memref<256x16xf32, #tpu.memory_space<vmem>>
      %parallel_loop3A_544 = tpu.vector_load_idx %parallel_loop3A_543[%parallel_loop3A_479, %parallel_loop3A_484] : memref<256x16xf32, #tpu.memory_space<vmem>>[vector<16xi32>, vector<16xi32>], vector<16xf32>,
      %parallel_loop3A_545 = arith.mulf %parallel_loop3A_544, %parallel_loop3A_486 : vector<16xf32>
      %parallel_loop3A_546 = arith.addf %parallel_loop3A_537, %parallel_loop3A_545 : vector<16xf32>
      %parallel_loop3A_547 = arith.constant 6 : i32
      %parallel_loop3A_548 = arith.constant 1 : i32
      %parallel_loop3A_549 = arith.constant 0 : i32
      %parallel_loop3A_550 = arith.constant 0 : i32
      %parallel_loop3A_551 = tpu.memref_slice %arg19[%parallel_loop3A_547, %parallel_loop3A_548, %parallel_loop3A_549, %parallel_loop3A_550] : memref<10x2x256x16xf32, #tpu.memory_space<vmem>> -> memref<1x1x256x16xf32, #tpu.memory_space<vmem>>
      %parallel_loop3A_552 = tpu.memref_squeeze %parallel_loop3A_551 : memref<1x1x256x16xf32, #tpu.memory_space<vmem>> -> memref<256x16xf32, #tpu.memory_space<vmem>>
      %parallel_loop3A_553 = tpu.vector_load_idx %parallel_loop3A_552[%parallel_loop3A_479, %parallel_loop3A_484] : memref<256x16xf32, #tpu.memory_space<vmem>>[vector<16xi32>, vector<16xi32>], vector<16xf32>,
      %parallel_loop3A_554 = arith.addf %parallel_loop3A_546, %parallel_loop3A_553 : vector<16xf32>
      %parallel_loop3A_555 = arith.index_cast %parallel_loop3A_481 : i32 to index
      %parallel_loop3A_556 = tpu.vector_load %arg22[%parallel_loop3A_555] {strides = array<i32>} : memref<512xf32, #tpu.memory_space<vmem>>, vector<16xf32>,
      tpu.vector_store %arg22[%parallel_loop3A_555], %parallel_loop3A_554 {strides = array<i32>} : memref<512xf32, #tpu.memory_space<vmem>>, vector<16xf32>,
      %parallel_loop3A_557 = arith.constant 7 : i32
      %parallel_loop3A_558 = arith.constant 1 : i32
      %parallel_loop3A_559 = arith.constant 0 : i32
      %parallel_loop3A_560 = arith.constant 0 : i32
      %parallel_loop3A_561 = tpu.memref_slice %arg19[%parallel_loop3A_557, %parallel_loop3A_558, %parallel_loop3A_559, %parallel_loop3A_560] : memref<10x2x256x16xf32, #tpu.memory_space<vmem>> -> memref<1x1x256x16xf32, #tpu.memory_space<vmem>>
      %parallel_loop3A_562 = tpu.memref_squeeze %parallel_loop3A_561 : memref<1x1x256x16xf32, #tpu.memory_space<vmem>> -> memref<256x16xf32, #tpu.memory_space<vmem>>
      %parallel_loop3A_563 = tpu.vector_load_idx %parallel_loop3A_562[%parallel_loop3A_479, %parallel_loop3A_484] : memref<256x16xf32, #tpu.memory_space<vmem>>[vector<16xi32>, vector<16xi32>], vector<16xf32>,
      %parallel_loop3A_564 = math.absf %parallel_loop3A_563 : vector<16xf32>
      %parallel_loop3A_565 = arith.mulf %parallel_loop3A_564, %parallel_loop3A_487 : vector<16xf32>
      %parallel_loop3A_566 = arith.constant 0.000000e+00 : f32
      %parallel_loop3A_567 = vector.broadcast %parallel_loop3A_566 : f32 to vector<16xf32>
      %parallel_loop3A_568 = arith.subf %parallel_loop3A_567, %parallel_loop3A_565 : vector<16xf32>
      %parallel_loop3A_569 = arith.constant 8 : i32
      %parallel_loop3A_570 = arith.constant 1 : i32
      %parallel_loop3A_571 = arith.constant 0 : i32
      %parallel_loop3A_572 = arith.constant 0 : i32
      %parallel_loop3A_573 = tpu.memref_slice %arg19[%parallel_loop3A_569, %parallel_loop3A_570, %parallel_loop3A_571, %parallel_loop3A_572] : memref<10x2x256x16xf32, #tpu.memory_space<vmem>> -> memref<1x1x256x16xf32, #tpu.memory_space<vmem>>
      %parallel_loop3A_574 = tpu.memref_squeeze %parallel_loop3A_573 : memref<1x1x256x16xf32, #tpu.memory_space<vmem>> -> memref<256x16xf32, #tpu.memory_space<vmem>>
      %parallel_loop3A_575 = tpu.vector_load_idx %parallel_loop3A_574[%parallel_loop3A_479, %parallel_loop3A_484] : memref<256x16xf32, #tpu.memory_space<vmem>>[vector<16xi32>, vector<16xi32>], vector<16xf32>,
      %parallel_loop3A_576 = arith.mulf %parallel_loop3A_575, %parallel_loop3A_486 : vector<16xf32>
      %parallel_loop3A_577 = arith.addf %parallel_loop3A_568, %parallel_loop3A_576 : vector<16xf32>
      %parallel_loop3A_578 = arith.constant 9 : i32
      %parallel_loop3A_579 = arith.constant 1 : i32
      %parallel_loop3A_580 = arith.constant 0 : i32
      %parallel_loop3A_581 = arith.constant 0 : i32
      %parallel_loop3A_582 = tpu.memref_slice %arg19[%parallel_loop3A_578, %parallel_loop3A_579, %parallel_loop3A_580, %parallel_loop3A_581] : memref<10x2x256x16xf32, #tpu.memory_space<vmem>> -> memref<1x1x256x16xf32, #tpu.memory_space<vmem>>
      %parallel_loop3A_583 = tpu.memref_squeeze %parallel_loop3A_582 : memref<1x1x256x16xf32, #tpu.memory_space<vmem>> -> memref<256x16xf32, #tpu.memory_space<vmem>>
      %parallel_loop3A_584 = tpu.vector_load_idx %parallel_loop3A_583[%parallel_loop3A_479, %parallel_loop3A_484] : memref<256x16xf32, #tpu.memory_space<vmem>>[vector<16xi32>, vector<16xi32>], vector<16xf32>,
      %parallel_loop3A_585 = arith.addf %parallel_loop3A_577, %parallel_loop3A_584 : vector<16xf32>
      %parallel_loop3A_586 = arith.index_cast %parallel_loop3A_481 : i32 to index
      %parallel_loop3A_587 = tpu.vector_load %arg23[%parallel_loop3A_586] {strides = array<i32>} : memref<512xf32, #tpu.memory_space<vmem>>, vector<16xf32>,
      tpu.vector_store %arg23[%parallel_loop3A_586], %parallel_loop3A_585 {strides = array<i32>} : memref<512xf32, #tpu.memory_space<vmem>>, vector<16xf32>,
    } {sc.loop_unroll_factor = 1 : i64, sc.parallel_access}
    %dma_start3A_405 = arith.constant 0 : i32
    %dma_start3A_406 = arith.constant 0 : i32
    %dma_start3A_407 = tpu.memref_slice %arg14[%dma_start3A_405, %dma_start3A_406] : memref<4x16384xf32, #tpu.memory_space<hbm>> -> memref<1x16384xf32, #tpu.memory_space<hbm>>
    %dma_start3A_408 = tpu.memref_squeeze %dma_start3A_407 : memref<1x16384xf32, #tpu.memory_space<hbm>> -> memref<16384xf32, #tpu.memory_space<hbm>>
    %dma_start3A_409 = tpu.memref_slice %dma_start3A_408[%mul3A_2] : memref<16384xf32, #tpu.memory_space<hbm>> -> memref<512xf32, #tpu.memory_space<hbm>>
    %dma_start3A_410 = arith.constant 0 : i32
    %dma_start3A_411 = tpu.memref_slice %arg14[%dma_start3A_405, %dma_start3A_410] : memref<4x16384xf32, #tpu.memory_space<hbm>> -> memref<1x16384xf32, #tpu.memory_space<hbm>>
    %dma_start3A_412 = tpu.memref_squeeze %dma_start3A_411 : memref<1x16384xf32, #tpu.memory_space<hbm>> -> memref<16384xf32, #tpu.memory_space<hbm>>
    %dma_start3A_413 = tpu.memref_slice %dma_start3A_412[%mul3A_2] : memref<16384xf32, #tpu.memory_space<hbm>> -> memref<512xf32, #tpu.memory_space<hbm>>
    tpu.enqueue_dma source(%arg20 : memref<512xf32, #tpu.memory_space<vmem>>) target(%dma_start3A_413 : memref<512xf32, #tpu.memory_space<hbm>>) target_semaphore(%arg26 : memref<!tpu.dma_semaphore, #tpu.memory_space<semaphore_mem>>)
    %dma_start3A_414 = arith.constant 1 : i32
    %dma_start3A_415 = arith.constant 0 : i32
    %dma_start3A_416 = tpu.memref_slice %arg14[%dma_start3A_414, %dma_start3A_415] : memref<4x16384xf32, #tpu.memory_space<hbm>> -> memref<1x16384xf32, #tpu.memory_space<hbm>>
    %dma_start3A_417 = tpu.memref_squeeze %dma_start3A_416 : memref<1x16384xf32, #tpu.memory_space<hbm>> -> memref<16384xf32, #tpu.memory_space<hbm>>
    %dma_start3A_418 = tpu.memref_slice %dma_start3A_417[%mul3A_2] : memref<16384xf32, #tpu.memory_space<hbm>> -> memref<512xf32, #tpu.memory_space<hbm>>
    %dma_start3A_419 = arith.constant 0 : i32
    %dma_start3A_420 = tpu.memref_slice %arg14[%dma_start3A_414, %dma_start3A_419] : memref<4x16384xf32, #tpu.memory_space<hbm>> -> memref<1x16384xf32, #tpu.memory_space<hbm>>
    %dma_start3A_421 = tpu.memref_squeeze %dma_start3A_420 : memref<1x16384xf32, #tpu.memory_space<hbm>> -> memref<16384xf32, #tpu.memory_space<hbm>>
    %dma_start3A_422 = tpu.memref_slice %dma_start3A_421[%mul3A_2] : memref<16384xf32, #tpu.memory_space<hbm>> -> memref<512xf32, #tpu.memory_space<hbm>>
    tpu.enqueue_dma source(%arg21 : memref<512xf32, #tpu.memory_space<vmem>>) target(%dma_start3A_422 : memref<512xf32, #tpu.memory_space<hbm>>) target_semaphore(%arg26 : memref<!tpu.dma_semaphore, #tpu.memory_space<semaphore_mem>>)
    %dma_start3A_423 = arith.constant 2 : i32
    %dma_start3A_424 = arith.constant 0 : i32
    %dma_start3A_425 = tpu.memref_slice %arg14[%dma_start3A_423, %dma_start3A_424] : memref<4x16384xf32, #tpu.memory_space<hbm>> -> memref<1x16384xf32, #tpu.memory_space<hbm>>
    %dma_start3A_426 = tpu.memref_squeeze %dma_start3A_425 : memref<1x16384xf32, #tpu.memory_space<hbm>> -> memref<16384xf32, #tpu.memory_space<hbm>>
    %dma_start3A_427 = tpu.memref_slice %dma_start3A_426[%mul3A_2] : memref<16384xf32, #tpu.memory_space<hbm>> -> memref<512xf32, #tpu.memory_space<hbm>>
    %dma_start3A_428 = arith.constant 0 : i32
    %dma_start3A_429 = tpu.memref_slice %arg14[%dma_start3A_423, %dma_start3A_428] : memref<4x16384xf32, #tpu.memory_space<hbm>> -> memref<1x16384xf32, #tpu.memory_space<hbm>>
    %dma_start3A_430 = tpu.memref_squeeze %dma_start3A_429 : memref<1x16384xf32, #tpu.memory_space<hbm>> -> memref<16384xf32, #tpu.memory_space<hbm>>
    %dma_start3A_431 = tpu.memref_slice %dma_start3A_430[%mul3A_2] : memref<16384xf32, #tpu.memory_space<hbm>> -> memref<512xf32, #tpu.memory_space<hbm>>
    tpu.enqueue_dma source(%arg22 : memref<512xf32, #tpu.memory_space<vmem>>) target(%dma_start3A_431 : memref<512xf32, #tpu.memory_space<hbm>>) target_semaphore(%arg26 : memref<!tpu.dma_semaphore, #tpu.memory_space<semaphore_mem>>)
    %dma_start3A_432 = arith.constant 3 : i32
    %dma_start3A_433 = arith.constant 0 : i32
    %dma_start3A_434 = tpu.memref_slice %arg14[%dma_start3A_432, %dma_start3A_433] : memref<4x16384xf32, #tpu.memory_space<hbm>> -> memref<1x16384xf32, #tpu.memory_space<hbm>>
    %dma_start3A_435 = tpu.memref_squeeze %dma_start3A_434 : memref<1x16384xf32, #tpu.memory_space<hbm>> -> memref<16384xf32, #tpu.memory_space<hbm>>
    %dma_start3A_436 = tpu.memref_slice %dma_start3A_435[%mul3A_2] : memref<16384xf32, #tpu.memory_space<hbm>> -> memref<512xf32, #tpu.memory_space<hbm>>
    %dma_start3A_437 = arith.constant 0 : i32
    %dma_start3A_438 = tpu.memref_slice %arg14[%dma_start3A_432, %dma_start3A_437] : memref<4x16384xf32, #tpu.memory_space<hbm>> -> memref<1x16384xf32, #tpu.memory_space<hbm>>
    %dma_start3A_439 = tpu.memref_squeeze %dma_start3A_438 : memref<1x16384xf32, #tpu.memory_space<hbm>> -> memref<16384xf32, #tpu.memory_space<hbm>>
    %dma_start3A_440 = tpu.memref_slice %dma_start3A_439[%mul3A_2] : memref<16384xf32, #tpu.memory_space<hbm>> -> memref<512xf32, #tpu.memory_space<hbm>>
    tpu.enqueue_dma source(%arg23 : memref<512xf32, #tpu.memory_space<vmem>>) target(%dma_start3A_440 : memref<512xf32, #tpu.memory_space<hbm>>) target_semaphore(%arg26 : memref<!tpu.dma_semaphore, #tpu.memory_space<semaphore_mem>>)
    %dma_wait3A_441 = arith.constant 0 : i32
    %dma_wait3A_442 = arith.constant 0 : i32
    %dma_wait3A_443 = tpu.memref_slice %arg14[%dma_wait3A_441, %dma_wait3A_442] : memref<4x16384xf32, #tpu.memory_space<hbm>> -> memref<1x16384xf32, #tpu.memory_space<hbm>>
    %dma_wait3A_444 = tpu.memref_squeeze %dma_wait3A_443 : memref<1x16384xf32, #tpu.memory_space<hbm>> -> memref<16384xf32, #tpu.memory_space<hbm>>
    %dma_wait3A_445 = tpu.memref_slice %dma_wait3A_444[%mul3A_2] : memref<16384xf32, #tpu.memory_space<hbm>> -> memref<512xf32, #tpu.memory_space<hbm>>
    %dma_wait3A_446 = arith.constant 0 : i32
    %dma_wait3A_447 = tpu.memref_slice %arg14[%dma_wait3A_441, %dma_wait3A_446] : memref<4x16384xf32, #tpu.memory_space<hbm>> -> memref<1x16384xf32, #tpu.memory_space<hbm>>
    %dma_wait3A_448 = tpu.memref_squeeze %dma_wait3A_447 : memref<1x16384xf32, #tpu.memory_space<hbm>> -> memref<16384xf32, #tpu.memory_space<hbm>>
    %dma_wait3A_449 = tpu.memref_slice %dma_wait3A_448[%mul3A_2] : memref<16384xf32, #tpu.memory_space<hbm>> -> memref<512xf32, #tpu.memory_space<hbm>>
    tpu.wait_dma2 semaphore(%arg26 : memref<!tpu.dma_semaphore, #tpu.memory_space<semaphore_mem>>) src(%arg20 : memref<512xf32, #tpu.memory_space<vmem>>) dst(%dma_wait3A_449 : memref<512xf32, #tpu.memory_space<hbm>>)
    %dma_wait3A_450 = arith.constant 1 : i32
    %dma_wait3A_451 = arith.constant 0 : i32
    %dma_wait3A_452 = tpu.memref_slice %arg14[%dma_wait3A_450, %dma_wait3A_451] : memref<4x16384xf32, #tpu.memory_space<hbm>> -> memref<1x16384xf32, #tpu.memory_space<hbm>>
    %dma_wait3A_453 = tpu.memref_squeeze %dma_wait3A_452 : memref<1x16384xf32, #tpu.memory_space<hbm>> -> memref<16384xf32, #tpu.memory_space<hbm>>
    %dma_wait3A_454 = tpu.memref_slice %dma_wait3A_453[%mul3A_2] : memref<16384xf32, #tpu.memory_space<hbm>> -> memref<512xf32, #tpu.memory_space<hbm>>
    %dma_wait3A_455 = arith.constant 0 : i32
    %dma_wait3A_456 = tpu.memref_slice %arg14[%dma_wait3A_450, %dma_wait3A_455] : memref<4x16384xf32, #tpu.memory_space<hbm>> -> memref<1x16384xf32, #tpu.memory_space<hbm>>
    %dma_wait3A_457 = tpu.memref_squeeze %dma_wait3A_456 : memref<1x16384xf32, #tpu.memory_space<hbm>> -> memref<16384xf32, #tpu.memory_space<hbm>>
    %dma_wait3A_458 = tpu.memref_slice %dma_wait3A_457[%mul3A_2] : memref<16384xf32, #tpu.memory_space<hbm>> -> memref<512xf32, #tpu.memory_space<hbm>>
    tpu.wait_dma2 semaphore(%arg26 : memref<!tpu.dma_semaphore, #tpu.memory_space<semaphore_mem>>) src(%arg21 : memref<512xf32, #tpu.memory_space<vmem>>) dst(%dma_wait3A_458 : memref<512xf32, #tpu.memory_space<hbm>>)
    %dma_wait3A_459 = arith.constant 2 : i32
    %dma_wait3A_460 = arith.constant 0 : i32
    %dma_wait3A_461 = tpu.memref_slice %arg14[%dma_wait3A_459, %dma_wait3A_460] : memref<4x16384xf32, #tpu.memory_space<hbm>> -> memref<1x16384xf32, #tpu.memory_space<hbm>>
    %dma_wait3A_462 = tpu.memref_squeeze %dma_wait3A_461 : memref<1x16384xf32, #tpu.memory_space<hbm>> -> memref<16384xf32, #tpu.memory_space<hbm>>
    %dma_wait3A_463 = tpu.memref_slice %dma_wait3A_462[%mul3A_2] : memref<16384xf32, #tpu.memory_space<hbm>> -> memref<512xf32, #tpu.memory_space<hbm>>
    %dma_wait3A_464 = arith.constant 0 : i32
    %dma_wait3A_465 = tpu.memref_slice %arg14[%dma_wait3A_459, %dma_wait3A_464] : memref<4x16384xf32, #tpu.memory_space<hbm>> -> memref<1x16384xf32, #tpu.memory_space<hbm>>
    %dma_wait3A_466 = tpu.memref_squeeze %dma_wait3A_465 : memref<1x16384xf32, #tpu.memory_space<hbm>> -> memref<16384xf32, #tpu.memory_space<hbm>>
    %dma_wait3A_467 = tpu.memref_slice %dma_wait3A_466[%mul3A_2] : memref<16384xf32, #tpu.memory_space<hbm>> -> memref<512xf32, #tpu.memory_space<hbm>>
    tpu.wait_dma2 semaphore(%arg26 : memref<!tpu.dma_semaphore, #tpu.memory_space<semaphore_mem>>) src(%arg22 : memref<512xf32, #tpu.memory_space<vmem>>) dst(%dma_wait3A_467 : memref<512xf32, #tpu.memory_space<hbm>>)
    %dma_wait3A_468 = arith.constant 3 : i32
    %dma_wait3A_469 = arith.constant 0 : i32
    %dma_wait3A_470 = tpu.memref_slice %arg14[%dma_wait3A_468, %dma_wait3A_469] : memref<4x16384xf32, #tpu.memory_space<hbm>> -> memref<1x16384xf32, #tpu.memory_space<hbm>>
    %dma_wait3A_471 = tpu.memref_squeeze %dma_wait3A_470 : memref<1x16384xf32, #tpu.memory_space<hbm>> -> memref<16384xf32, #tpu.memory_space<hbm>>
    %dma_wait3A_472 = tpu.memref_slice %dma_wait3A_471[%mul3A_2] : memref<16384xf32, #tpu.memory_space<hbm>> -> memref<512xf32, #tpu.memory_space<hbm>>
    %dma_wait3A_473 = arith.constant 0 : i32
    %dma_wait3A_474 = tpu.memref_slice %arg14[%dma_wait3A_468, %dma_wait3A_473] : memref<4x16384xf32, #tpu.memory_space<hbm>> -> memref<1x16384xf32, #tpu.memory_space<hbm>>
    %dma_wait3A_475 = tpu.memref_squeeze %dma_wait3A_474 : memref<1x16384xf32, #tpu.memory_space<hbm>> -> memref<16384xf32, #tpu.memory_space<hbm>>
    %dma_wait3A_476 = tpu.memref_slice %dma_wait3A_475[%mul3A_2] : memref<16384xf32, #tpu.memory_space<hbm>> -> memref<512xf32, #tpu.memory_space<hbm>>
    tpu.wait_dma2 semaphore(%arg26 : memref<!tpu.dma_semaphore, #tpu.memory_space<semaphore_mem>>) src(%arg23 : memref<512xf32, #tpu.memory_space<vmem>>) dst(%dma_wait3A_476 : memref<512xf32, #tpu.memory_space<hbm>>)
    return
  }
}

</mosaic_0001>

<sc_bundles>
// kernel: _run.3.cloned.1.call-start
scs
__scs_entry_jumppad:
0x0: {  	(pc) =	sbr.rel $0x88, $3  }
0x1: {  	(tag) =	ssettag $0x0;
	lr =	simm.s32 $0x1  }
0x2: {  	[smem:$0x3F95] =	sst lr;
	_ =	strace $0xD0000000  }
0x3: {  	_ = 	snop  }
0x4: {  	_ = 	snop  }
0x5: {  	_ = 	snop  }
0x6: {  	_ = 	snop  }
0x7: {  	_ = 	snop  }
__scs_overlays_trampoline_lowered:
0x8: {  	[smem:$0x3FA4] =	sst s0  }
0x9: {  	[smem:$0x3FA5] =	sst s1  }
0xa: {  	[smem:$0x3FA6] =	sst s2  }
0xb: {  	[smem:$0x3FA7] =	sst s3  }
0xc: {  	[smem:$0x3FA8] =	sst s4  }
0xd: {  	[smem:$0x3FA9] =	sst s5  }
0xe: {  	[smem:$0x3FAA] =	sst s6  }
0xf: {  	[smem:$0x3FAB] =	sst s7  }
0x10: {  	[smem:$0x3FAC] =	sst s8  }
0x11: {  	[smem:$0x3FAD] =	sst s9;
	s0 =	simm.s32 @!p0 $0x0  }
0x12: {  	s1 =	sld [smem:$0x3F93];
	s0 =	simm.s32 @p0 $0x1  }
0x13: {  	[smem:$0x3FAE] =	sst s0;
	s0 =	simm.s32 @!p1 $0x0  }
0x14: {  	s2 =	sld [smem:$0x3F92];
	s0 =	simm.s32 @p1 $0x1  }
0x15: {  	[smem:$0x3FAF] =	sst s0;
	s0 =	simm.s32 @!p2 $0x0  }
0x16: {  	s3 =	sld [smem:$0x3FDB];
	s0 =	simm.s32 @p2 $0x1  }
0x17: {  	s4 =	simm.s32 $0x1BF5;
	[smem:$0x3FB1] =	sst s0  }
0x18: {  	s0 =	sld [smem:$0x3F94];
	_ =	swait.ge [sflag:s4], $0x0  }
0x19: {  	s7 =	sld [smem:$0x3F95]  }
0x1a: {  	s8 =	sadd.s32 $0xFFFFE003, lr  }
0x1b: {  	s9 =	sadd.s32 $0xFFFFFEF7, lr;
	s5 =	simm.s32 $0xFFFFFFFF;
	p2 =	slt.u32 s8, $0xFFFFF086  }
0x1c: {  	p1 =	slt.u32 s9, $0xF7A;
	s5 =	simm.s32 @!p2 $0x0  }
0x1d: {  	s5 =	simm.s32 @p1 $0x1;
	p0 =	seq.s32 s7, s2  }
0x1e: {  	s7 =	smul.u32 @!p0 $0xF7A, s2;
	p2 =	seq.s32 @!p0 s5, $0x0  }
0x1f: {  	s9 =	smul.u32 $0xF7A, s1;
	s8 =	simm.s32 @!p0 $0x1BF5;
	p2 =	por !p2, p0  }
0x20: {  	[sflag:s8] =	ssyncset.s32 @!p0 $0xFFFFF086;
	s6 =	sadd.s32 @!p0 s3, s7;
	s7 =	simm.s32 @!p0 $0x108  }
0x21: {  	s3 =	sadd.s32 s3, s9;
	s6 =	sadd.s32 @!p0 $0x88, s6;
	s7 =	simm.s32 @p2 $0x1082  }
0x22: {  	[simem:s7], [sflag:s8] =	dma.local @!p0 [hbm:s6], $0xF7A  }
0x23: {  	s9 =	sor.u32 $0xD0000000, s2;
	s6 =	simm.s32 $0x108;
	_ =	swait.ge @!p0 [sflag:s8], $0x0  }
0x24: {  	s3 =	sadd.s32 $0x88, s3;
	s6 =	simm.s32 @!p1 $0x1082;
	[sflag:s4] =	ssyncset.s32 $0xFFFFF086  }
0x25: {  	[simem:s6], [sflag:s4] =	dma.local [hbm:s3], $0xF7A  }
0x26: {  	[smem:$0x3F95] =	sst s1;
	(tag) =	ssettag s2;
	_ =	strace s9  }
0x27: {  	s1 =	sld [smem:$0x3FA5]  }
0x28: {  	s2 =	sld [smem:$0x3FA6]  }
0x29: {  	s4 =	sld [smem:$0x3FA8]  }
0x2a: {  	p0 =	seq.s32 s5, $0x0;
	s5 =	sld [smem:$0x3FA9]  }
0x2b: {  	s6 =	sld [smem:$0x3FAA]  }
0x2c: {  	s7 =	sld [smem:$0x3FAB]  }
0x2d: {  	s3 =	simm.s32 $0x108;
	s8 =	sld [smem:$0x3FAC]  }
0x2e: {  	s3 =	simm.s32 @!p0 $0x1082;
	s9 =	sld [smem:$0x3FAD]  }
0x2f: {  	lr =	sadd.s32 s0, s3;
	s0 =	sld [smem:$0x3FA4]  }
0x30: {  	s3 =	sld [smem:$0x3FA7]  }
0x31: {  	[smem:$0x3FB0] =	sst s10  }
0x32: {  	s10 =	sld [smem:$0x3FAE];
	_ =	sdelay $0x3  }
0x33: {  	p0 =	seq.s32 s10, $0x1;
	s10 =	sld [smem:$0x3FB0];
	_ =	sdelay $0x3  }
0x34: {  	[smem:$0x3FB0] =	sst s10  }
0x35: {  	s10 =	sld [smem:$0x3FAF];
	_ =	sdelay $0x3  }
0x36: {  	p1 =	seq.s32 s10, $0x1;
	s10 =	sld [smem:$0x3FB0];
	_ =	sdelay $0x3  }
0x37: {  	[smem:$0x3FB0] =	sst s10  }
0x38: {  	s10 =	sld [smem:$0x3FB1]  }
0x39: {  	_ = 	snop;
	(pc) =	sbr.ind lr, $3  }
0x3a: {  	_ = 	snop  }
0x3b: {  	_ = 	snop  }
0x3c: {  	p2 =	seq.s32 s10, $0x1;
	s10 =	sld [smem:$0x3FB0]  }
0x3d: {  	_ =	shalt  }
0x3e: {  	_ =	shalt  }
0x3f: {  	_ =	shalt  }
0x40: {  	_ =	shalt  }
0x41: {  	_ =	shalt  }
0x42: {  	_ =	shalt  }
0x43: {  	_ =	shalt  }
0x44: {  	_ =	shalt  }
0x45: {  	_ =	shalt  }
0x46: {  	_ =	shalt  }
0x47: {  	_ =	shalt  }
0x48: {  	_ =	shalt  }
0x49: {  	_ =	shalt  }
0x4a: {  	_ =	shalt  }
0x4b: {  	_ =	shalt  }
0x4c: {  	_ =	shalt  }
0x4d: {  	_ =	shalt  }
0x4e: {  	_ =	shalt  }
0x4f: {  	_ =	shalt  }
0x50: {  	_ =	shalt  }
0x51: {  	_ =	shalt  }
0x52: {  	_ =	shalt  }
0x53: {  	_ =	shalt  }
0x54: {  	_ =	shalt  }
0x55: {  	_ =	shalt  }
0x56: {  	_ =	shalt  }
0x57: {  	_ =	shalt  }
0x58: {  	_ =	shalt  }
0x59: {  	_ =	shalt  }
0x5a: {  	_ =	shalt  }
0x5b: {  	_ =	shalt  }
0x5c: {  	_ =	shalt  }
0x5d: {  	_ =	shalt  }
0x5e: {  	_ =	shalt  }
0x5f: {  	_ =	shalt  }
0x60: {  	_ =	shalt  }
0x61: {  	_ =	shalt  }
0x62: {  	_ =	shalt  }
0x63: {  	_ =	shalt  }
0x64: {  	_ =	shalt  }
0x65: {  	_ =	shalt  }
0x66: {  	_ =	shalt  }
0x67: {  	_ =	shalt  }
0x68: {  	_ =	shalt  }
0x69: {  	_ =	shalt  }
0x6a: {  	_ =	shalt  }
0x6b: {  	_ =	shalt  }
0x6c: {  	_ =	shalt  }
0x6d: {  	_ =	shalt  }
0x6e: {  	_ =	shalt  }
0x6f: {  	_ =	shalt  }
0x70: {  	_ =	shalt  }
0x71: {  	_ =	shalt  }
0x72: {  	_ =	shalt  }
0x73: {  	_ =	shalt  }
0x74: {  	_ =	shalt  }
0x75: {  	_ =	shalt  }
0x76: {  	_ =	shalt  }
0x77: {  	_ =	shalt  }
0x78: {  	_ =	shalt  }
0x79: {  	_ =	shalt  }
0x7a: {  	_ =	shalt  }
0x7b: {  	_ =	shalt  }
0x7c: {  	_ =	shalt  }
0x7d: {  	_ =	shalt  }
0x7e: {  	_ =	shalt  }
0x7f: {  	_ =	shalt  }
0x80: {  	_ =	shalt  }
0x81: {  	_ =	shalt  }
0x82: {  	_ =	shalt  }
0x83: {  	_ =	shalt  }
0x84: {  	_ =	shalt  }
0x85: {  	_ =	shalt  }
0x86: {  	_ =	shalt  }
0x87: {  	_ =	shalt  }
.Lfunc_end0:
.L_simem_size_0:
called_computation_lowered:
.L_overlay_start_0:
0x88: {  	s2 =	sld [smem:$0x3FD9]  }
0x89: {  	s3 =	sld [smem:$0x3FFE];
	_ =	sdelay $0x1  }
0x8a: {  	s1 =	srdreg.scid  }
0x8b: {  	s0 =	sand.u32 $0x1, s1  }
0x8c: {  	s17 =	sshll.u32 s0, $0xA;
	s2 =	sadd.s32 s3, s2  }
0x8d: {  	s2 =	sadd.s32 s2, s17  }
0x8e: {  	[smem:$0x3FBC] =	sst s2  }
0x8f: {  	_ = 	snop  }
0x90: {  	s2 =	sld [smem:$0x3FC9]  }
0x91: {  	s18 =	sld [smem:$0x3FC8];
	(tm) =	ssettm $0x1  }
0x92: {  	s4 =	sld [smem:$0x3FFB];
	_ =	sdelay $0x3  }
0x93: {  	_ =	strace s4  }
0x94: {  	s4 =	sld [smem:$0x3FFC];
	_ =	sdelay $0x3  }
0x95: {  	_ =	strace s4  }
0x96: {  	s4 =	sld [smem:$0x3FFD];
	_ =	sdelay $0x3  }
0x97: {  	_ =	strace s4  }
0x98: {  	_ =	strace $0x8FFFFFFF  }
0x99: {  	s19 =	sld [smem:$0x3FDB];
	_ =	sdelay $0x1  }
0x9a: {  	s5 =	simm.s32 $_scs_section_size  }
0x9b: {  	s6 =	simm.s32 $_size__tile_overlayer_lowered;
	s7 =	simm.s32 $_tile_overlayer_lowered  }
0x9c: {  	s22 =	simm.s32 $0x1BFF;
	s21 =	sshll.u32 s7, $0x1;
	s4 =	sadd.s32 s5, s19  }
0x9d: {  	s8 =	simm.s32 $0x0;
	s20 =	sshll.u32 s6, $0x1;
	s6 =	sadd.s32 s21, s4  }
0x9e: {  	[timem:s8], [sflag:s22] =	dma.local [hbm:s6], s20  }
0x9f: {  	_ =	swait.ge [sflag:s22], s20  }
0xa0: {  	s5 =	ssub.s32 $0x0, s20;
	[sflag:s22] =	ssyncset.done $0x0  }
0xa1: {  	[sflag:s22] =	ssyncadd.s32 s5;
	_ =	sdelay $0x1  }
0xa2: {  	s23 =	simm.s32 $0x1B8B  }
0xa3: {  	_ =	swait.ge [sflag:s23], $0x1  }
0xa4: {  	[sflag:s23] =	ssyncset.done $0x0  }
0xa5: {  	s25 =	simm.s32 $0x1B8E;
	s24 =	sld [smem:$0x3FFE];
	[sflag:s23] =	ssyncadd.s32 $0xFFFFFFFF  }
0xa6: {  	s26 =	simm.s32 $execute0_lowered;
	[smem:$0x3FD2] =	sst s25  }
0xa7: {  	s6 =	sshll.u32 s26, $0x1;
	_ =	strace $0x80000046;
	[dreg:$0x1] =	wrdreg $0xFFFFFFFF  }
0xa8: {  	s28 =	simm.s32 $_size_execute0_lowered;
	s4 =	sadd.s32 s4, s6;
	[dreg:$0x0] =	wrdreg $0x0  }
0xa9: {  	s6 =	sshll.u32 s28, $0x1;
	[dreg:$0x2] =	wrdreg s4  }
0xaa: {  	[dreg:$0x3] =	wrdreg s6  }
0xab: {  	[dreg:$0x4] =	wrdreg $0xC0  }
0xac: {  	_ =	task [dreg:s8], $0x5FFFF  }
0xad: {  	[dreg:$0x1] =	wrdreg $0xFFFFFFFF  }
0xae: {  	[dreg:$0x0] =	wrdreg $0x60  }
0xaf: {  	[dreg:$0x2] =	wrdreg s2  }
0xb0: {  	[dreg:$0x3] =	wrdreg s18  }
0xb1: {  	[dreg:$0x4] =	wrdreg s24  }
0xb2: {  	[dreg:$0x5] =	wrdreg $0x9  }
0xb3: {  	_ =	task.clear_ibuf [dreg:s8], $0x6FFFF;
	_ =	strace $0x90000046  }
0xb4: {  	s29 =	simm.s32 $0x9;
	_ =	strace $0x80000048  }
0xb5: {  	_ =	swait.ge [sflag:s29], $0x1  }
0xb6: {  	[sflag:s29] =	ssyncadd.s32 $0xFFFFFFFF  }
0xb7: {  	_ =	strace $0x90000048  }
0xb8: {  	_ =	sfence  }
0xb9: {  	s30 =	sld [smem:$0x0];
	_ =	sdelay $0x2  }
0xba: {  	s31 =	sshll.u32 s1, $0xD;
	s1 =	sshrl.u32 s1, $0x2  }
0xbb: {  	s3 =	sand.u32 $0x4000, s31;
	s1 =	sadd.s32 s1, s30  }
0xbc: {  	s0 =	sor.u32 s3, s0;
	s1 =	sshll.u32 s1, $0x11  }
0xbd: {  	s0 =	sor.u32 s1, s0  }
0xbe: {  	s0 =	sadd.s32 $0x8F2B, s0  }
0xbf: {  	[sflag:s0] =	ssyncadd.remote.s32 $0x1  }
0xc0: {  	_ =	sfence.sel $0xFFFF  }
0xc1: {  	[dreg:$0x0] =	wrdreg $0xFFFFFFFF;
	(pc) =	sbr.abs _section_cstart, $3  }
0xc2: {  	[dreg:$0x1] =	wrdreg $0xFFFFFFFF  }
0xc3: {  	_ =	task.clear_ibuf [dreg:s8], $0x2FFFF;
	_ =	strace $0x9FFFFFFF  }
0xc4: {  	(tm) =	ssettm $0x7FFFFFFF  }
0xc5: {  	_ =	shalt  }
tec
execute0_lowered:
.L_overlay_start_1:
0x0: {  	(tag) =	ssettag $0x1  }
0x1: {  	s0 =	rddreg [dreg:$0x0]  }
0x2: {  	s1 =	rddreg [dreg:$0x1]  }
0x3: {  	s2 =	rddreg [dreg:$0x2];
	s10 =	simm.s32 $0x0  }
0x4: {  	s15 =	srdreg.scid;
	s17 =	stileid.u32;
	s28 =	simm.s32 $0x4600  }
0x5: {  	s29 =	simm.s32 $0x6600;
	s30 =	simm.s32 $0x8600;
	s31 =	simm.s32 $0xA600  }
0x6: {  	s8 =	simm.s32 $0xE600;
	s7 =	simm.s32 $0x3;
	s9 =	simm.s32 $0x0  }
0x7: {  	[smem:$0x7FF] =	sst s10;
	s12 =	sadd.s32 $0x400, s2;
	s3 =	sadd.s32 $0x7AC00, s2  }
0x8: {  	s11 =	sadd.s32 $0x99600, s2;
	_ =	strace $0x80000047;
	[dreg:$0x8] =	wrdreg s3  }
0x9: {  	s16 =	sadd.s32 $0x1EE00, s2;
	s13 =	sadd.s32 $0xB8000, s2;
	[dreg:$0x9] =	wrdreg s11  }
0xa: {  	s18 =	sadd.s32 $0x3D800, s2;
	s14 =	sadd.s32 $0xD6A00, s2;
	[dreg:$0xa] =	wrdreg s13  }
0xb: {  	s21 =	sadd.s32 $0x5C200, s2;
	s4 =	sadd.s32 $0xF5400, s2;
	[dreg:$0xb] =	wrdreg s14  }
0xc: {  	s6 =	sadd.s32 $0x113E00, s2;
	s23 =	sadd.s32 $0x133000, s2;
	[dreg:$0xc] =	wrdreg s4  }
0xd: {  	s24 =	sadd.s32 $0x133800, s2;
	s3 =	sand.u32 $0x1, s15;
	[dreg:$0xd] =	wrdreg s6  }
0xe: {  	s4 =	sshll.u32 s17, $0x7;
	s14 =	simm.s32 $0x12600;
	[dreg:$0x4] =	wrdreg s12  }
0xf: {  	s15 =	simm.s32 $0x2;
	s17 =	simm.s32 $0x1600;
	[dreg:$0x5] =	wrdreg s16  }
0x10: {  	s13 =	simm.s32 $0x9600;
	s6 =	simm.s32 $0x13600;
	[dreg:$0x6] =	wrdreg s18  }
0x11: {  	[dreg:$0x7] =	wrdreg s21;
	s5 =	sshll.u32 s3, $0x6;
	s3 =	ssub.s32 $0x2, s3  }
0x12: {  	s4 =	sor.u32 s5, s4;
	s19 =	sshrl.u32 s3, $0x1;
	s5 =	simm.s32 $0x11600  }
0x13: {  	s20 =	sadd.s32 s4, s2;
	s3 =	ssub.s32 s3, s19;
	s1 =	sadd.s32 s1, s4  }
0x14: {  	s0 =	sadd.s32 s0, s4;
	s2 =	sadd.s32 $0x134000, s2;
	[dreg:$0xe] =	wrdreg s1  }
0x15: {  	s25 =	sadd.s32 s4, s24;
	s19 =	simm.s32 $0x10600;
	[dreg:$0x10] =	wrdreg s0  }
0x16: {  	s24 =	simm.s32 $0x7600;
	s1 =	sadd.s32 $0x20, s1;
	[dreg:$0x14] =	wrdreg s25  }
0x17: {  	s22 =	sadd.s32 $0x132800, s20;
	s3 =	smax.u32 s3, $0x1;
	[dreg:$0xf] =	wrdreg s1  }
0x18: {  	s20 =	simm.s32 $0x1;
	s0 =	sadd.s32 s4, s23;
	[dreg:$0x11] =	wrdreg s22  }
0x19: {  	s26 =	sadd.s32 s4, s2;
	s25 =	simm.s32 $0x600;
	[dreg:$0x12] =	wrdreg s3  }
0x1a: {  	s23 =	simm.s32 $0x5600;
	s2 =	simm.s32 $0xB600;
	[dreg:$0x13] =	wrdreg s0  }
0x1b: {  	v0 =	vlaneseq.u32;
	s4 =	simm.s32 $0xF600;
	[dreg:$0x15] =	wrdreg s26;
	s26 =	simm.s32 $0x2600  }
0x1c: {  	v0 =	vmul.u32 $0x10, v0;
	s0 =	simm.s32 $0xC600;
	s22 =	simm.s32 $0x3600;
	s3 =	simm.s32 $0xD600  }
.LBB2_1:
0x1d: {  	s1 =	rddreg [dreg:$0xe]  }
0x1e: {  	[tilespmem:s10], [sflag:$0x1] =	stream.linear.gather [hbm4b:s1+s10], $0x100, $0x38;
	[tilespmem:$0x14E00] =	vst v63  }
0x1f: {  	s11 =	simm.s32 $0x100;
	s1 =	rddreg [dreg:$0xf]  }
0x20: {  	[tilespmem:s11], [sflag:$0x2] =	stream.linear.gather [hbm4b:s1+s10], $0x100, $0x38;
	[tilespmem:$0x14E00] =	vst v63  }
0x21: {  	s1 =	rddreg [dreg:$0x10];
	s11 =	simm.s32 $0x400  }
0x22: {  	[tilespmem:s11], [sflag:$0x3] =	stream.linear.gather [hbm4b:s1+s10], $0x200, $0x38;
	[tilespmem:$0x14E00] =	vst v63  }
0x23: {  	_ =	swait.ge [sflag:s20], $0x100  }
0x24: {  	[sflag:s20] =	ssyncset.done $0x0  }
0x25: {  	[sflag:s20] =	ssyncadd.s32 $0xFFFFFF00  }
0x26: {  	v1 =	vld [tilespmem:s10+$0x0];
	_ =	sdelay $0x4  }
0x27: {  	s11 =	simm.s32 $0x10;
	s1 =	simm.s32 $0x200;
	s10 =	simm.s32 $0x10;
	v1 =	vshrl.u32 v1, $0x4  }
.LBB2_2:
0x28: {  	s10 =	sadd.s32 $0x10, s10  }
0x29: {  	v2 =	vld [tilespmem:s11+$0x0];
	[tilespmem:s1+$0x0] =	vst v1;
	s1 =	sadd.s32 $0x10, s1;
	p0 =	slt.u32 s10, $0xF0  }
.Ltmp0:
0x2a: {  	(pc) =	sbr.rel @p0 .LBB2_2-.Ltmp0, $2  }
0x2b: {  	_ =	sdelay $0x2  }
0x2c: {  	s11 =	sadd.s32 $0x10, s11;
	v1 =	vshrl.u32 v2, $0x4  }
0x2d: {  	v2 =	vld [tilespmem:s11+$0x0];
	_ =	sdelay $0x4  }
0x2e: {  	[tilespmem:s1+$0x0] =	vst v1;
	s11 =	sadd.s32 $0x10, s1;
	v1 =	vshrl.u32 v2, $0x4  }
0x2f: {  	s1 =	simm.s32 $0x100;
	[tilespmem:s11+$0x0] =	vst v1;
	s11 =	simm.s32 $0x200  }
0x30: {  	[tilespmem:s25], [sflag:$0x1] =	stream.indirect.gather [hbm4b:s12+s1], $0x10, s11, s1, $0xb8;
	[tilespmem:$0x14E00] =	vst v63  }
0x31: {  	_ = 	snop  }
0x32: {  	[tilespmem:s26], [sflag:$0x1] =	stream.indirect.gather [hbm4b:s16+s1], $0x10, s11, s1, $0xb8;
	[tilespmem:$0x14E00] =	vst v63  }
0x33: {  	_ = 	snop  }
0x34: {  	[tilespmem:s28], [sflag:$0x1] =	stream.indirect.gather [hbm4b:s18+s1], $0x10, s11, s1, $0xb8;
	[tilespmem:$0x14E00] =	vst v63  }
0x35: {  	_ = 	snop  }
0x36: {  	[tilespmem:s29], [sflag:$0x1] =	stream.indirect.gather [hbm4b:s21+s1], $0x10, s11, s1, $0xb8;
	[tilespmem:$0x14E00] =	vst v63  }
0x37: {  	s10 =	rddreg [dreg:$0x8]  }
0x38: {  	[tilespmem:s30], [sflag:$0x1] =	stream.indirect.gather [hbm4b:s10+s1], $0x10, s11, s1, $0xb8;
	[tilespmem:$0x14E00] =	vst v63  }
0x39: {  	s10 =	rddreg [dreg:$0x9]  }
0x3a: {  	[tilespmem:s31], [sflag:$0x1] =	stream.indirect.gather [hbm4b:s10+s1], $0x10, s11, s1, $0xb8;
	[tilespmem:$0x14E00] =	vst v63  }
0x3b: {  	s10 =	rddreg [dreg:$0xa]  }
0x3c: {  	[tilespmem:s0], [sflag:$0x1] =	stream.indirect.gather [hbm4b:s10+s1], $0x10, s11, s1, $0xb8;
	[tilespmem:$0x14E00] =	vst v63  }
0x3d: {  	s10 =	rddreg [dreg:$0xb]  }
0x3e: {  	[tilespmem:s8], [sflag:$0x1] =	stream.indirect.gather [hbm4b:s10+s1], $0x10, s11, s1, $0xb8;
	[tilespmem:$0x14E00] =	vst v63  }
0x3f: {  	s10 =	rddreg [dreg:$0xc]  }
0x40: {  	[tilespmem:s19], [sflag:$0x1] =	stream.indirect.gather [hbm4b:s10+s1], $0x10, s11, s1, $0xb8;
	[tilespmem:$0x14E00] =	vst v63  }
0x41: {  	s10 =	rddreg [dreg:$0xd]  }
0x42: {  	[tilespmem:s14], [sflag:$0x1] =	stream.indirect.gather [hbm4b:s10+s1], $0x10, s11, s1, $0xb8;
	[tilespmem:$0x14E00] =	vst v63  }
0x43: {  	_ =	swait.ge [sflag:s15], $0x100  }
0x44: {  	[sflag:s15] =	ssyncset.done $0x0  }
0x45: {  	[sflag:s15] =	ssyncadd.s32 $0xFFFFFF00  }
0x46: {  	v1 =	vld [tilespmem:s1+$0x0];
	_ =	sdelay $0x4  }
0x47: {  	s10 =	simm.s32 $0x10;
	s11 =	simm.s32 $0x110;
	s1 =	simm.s32 $0x300;
	v1 =	vshrl.u32 v1, $0x4  }
.LBB2_4:
0x48: {  	s10 =	sadd.s32 $0x10, s10  }
0x49: {  	v2 =	vld [tilespmem:s11+$0x0];
	[tilespmem:s1+$0x0] =	vst v1;
	s1 =	sadd.s32 $0x10, s1;
	p0 =	slt.u32 s10, $0xF0  }
.Ltmp1:
0x4a: {  	(pc) =	sbr.rel @p0 .LBB2_4-.Ltmp1, $2  }
0x4b: {  	_ =	sdelay $0x2  }
0x4c: {  	s11 =	sadd.s32 $0x10, s11;
	v1 =	vshrl.u32 v2, $0x4  }
0x4d: {  	v2 =	vld [tilespmem:s11+$0x0];
	_ =	sdelay $0x4  }
0x4e: {  	[tilespmem:s1+$0x0] =	vst v1;
	s11 =	sadd.s32 $0x10, s1;
	v1 =	vshrl.u32 v2, $0x4  }
0x4f: {  	s10 =	simm.s32 $0x100;
	[tilespmem:s11+$0x0] =	vst v1;
	s11 =	simm.s32 $0x300  }
0x50: {  	[tilespmem:s17], [sflag:$0x2] =	stream.indirect.gather [hbm4b:s12+s10], $0x10, s11, s10, $0xb8;
	[tilespmem:$0x14E00] =	vst v63  }
0x51: {  	_ = 	snop  }
0x52: {  	[tilespmem:s22], [sflag:$0x2] =	stream.indirect.gather [hbm4b:s16+s10], $0x10, s11, s10, $0xb8;
	[tilespmem:$0x14E00] =	vst v63  }
0x53: {  	_ = 	snop  }
0x54: {  	[tilespmem:s23], [sflag:$0x2] =	stream.indirect.gather [hbm4b:s18+s10], $0x10, s11, s10, $0xb8;
	[tilespmem:$0x14E00] =	vst v63  }
0x55: {  	_ = 	snop  }
0x56: {  	[tilespmem:s24], [sflag:$0x2] =	stream.indirect.gather [hbm4b:s21+s10], $0x10, s11, s10, $0xb8;
	[tilespmem:$0x14E00] =	vst v63  }
0x57: {  	s1 =	rddreg [dreg:$0x8]  }
0x58: {  	[tilespmem:s13], [sflag:$0x2] =	stream.indirect.gather [hbm4b:s1+s10], $0x10, s11, s10, $0xb8;
	[tilespmem:$0x14E00] =	vst v63  }
0x59: {  	s21 =	rddreg [dreg:$0x9]  }
0x5a: {  	[tilespmem:s2], [sflag:$0x2] =	stream.indirect.gather [hbm4b:s21+s10], $0x10, s11, s10, $0xb8;
	[tilespmem:$0x14E00] =	vst v63  }
0x5b: {  	s12 =	rddreg [dreg:$0xa]  }
0x5c: {  	[tilespmem:s3], [sflag:$0x2] =	stream.indirect.gather [hbm4b:s12+s10], $0x10, s11, s10, $0xb8;
	[tilespmem:$0x14E00] =	vst v63  }
0x5d: {  	s16 =	rddreg [dreg:$0xb]  }
0x5e: {  	[tilespmem:s4], [sflag:$0x2] =	stream.indirect.gather [hbm4b:s16+s10], $0x10, s11, s10, $0xb8;
	[tilespmem:$0x14E00] =	vst v63  }
0x5f: {  	s18 =	rddreg [dreg:$0xc]  }
0x60: {  	[tilespmem:s5], [sflag:$0x2] =	stream.indirect.gather [hbm4b:s18+s10], $0x10, s11, s10, $0xb8;
	[tilespmem:$0x14E00] =	vst v63  }
0x61: {  	s21 =	rddreg [dreg:$0xd]  }
0x62: {  	[tilespmem:s6], [sflag:$0x2] =	stream.indirect.gather [hbm4b:s21+s10], $0x10, s11, s10, $0xb8;
	[tilespmem:$0x14E00] =	vst v63  }
0x63: {  	_ =	swait.ge [sflag:s7], $0x200  }
0x64: {  	[sflag:s7] =	ssyncset.done $0x0  }
0x65: {  	[sflag:s7] =	ssyncadd.s32 $0xFFFFFE00  }
0x66: {  	_ =	swait.ge [sflag:s20], $0x1000  }
0x67: {  	[sflag:s20] =	ssyncset.done $0x0  }
0x68: {  	[sflag:s20] =	ssyncadd.s32 $0xFFFFF000  }
0x69: {  	_ =	swait.ge [sflag:s20], $0x1000  }
0x6a: {  	[sflag:s20] =	ssyncset.done $0x0  }
0x6b: {  	[sflag:s20] =	ssyncadd.s32 $0xFFFFF000  }
0x6c: {  	_ =	swait.ge [sflag:s20], $0x1000  }
0x6d: {  	[sflag:s20] =	ssyncset.done $0x0  }
0x6e: {  	[sflag:s20] =	ssyncadd.s32 $0xFFFFF000  }
0x6f: {  	_ =	swait.ge [sflag:s20], $0x1000  }
0x70: {  	[sflag:s20] =	ssyncset.done $0x0  }
0x71: {  	[sflag:s20] =	ssyncadd.s32 $0xFFFFF000  }
0x72: {  	_ =	swait.ge [sflag:s20], $0x1000  }
0x73: {  	[sflag:s20] =	ssyncset.done $0x0  }
0x74: {  	[sflag:s20] =	ssyncadd.s32 $0xFFFFF000  }
0x75: {  	_ =	swait.ge [sflag:s20], $0x1000  }
0x76: {  	[sflag:s20] =	ssyncset.done $0x0  }
0x77: {  	[sflag:s20] =	ssyncadd.s32 $0xFFFFF000  }
0x78: {  	_ =	swait.ge [sflag:s20], $0x1000  }
0x79: {  	[sflag:s20] =	ssyncset.done $0x0  }
0x7a: {  	[sflag:s20] =	ssyncadd.s32 $0xFFFFF000  }
0x7b: {  	_ =	swait.ge [sflag:s20], $0x1000  }
0x7c: {  	[sflag:s20] =	ssyncset.done $0x0  }
0x7d: {  	[sflag:s20] =	ssyncadd.s32 $0xFFFFF000  }
0x7e: {  	_ =	swait.ge [sflag:s20], $0x1000  }
0x7f: {  	[sflag:s20] =	ssyncset.done $0x0  }
0x80: {  	[sflag:s20] =	ssyncadd.s32 $0xFFFFF000  }
0x81: {  	_ =	swait.ge [sflag:s20], $0x1000  }
0x82: {  	[sflag:s20] =	ssyncset.done $0x0  }
0x83: {  	s12 =	simm.s32 $0x0;
	[sflag:s20] =	ssyncadd.s32 $0xFFFFF000  }
0x84: {  	v1 =	vld [tilespmem:s12+$0x0];
	_ =	sdelay $0x1  }
0x85: {  	s16 =	simm.s32 $0x0  }
0x86: {  	v2 =	vmov s16  }
0x87: {  	v2 =	vshll.u32 v2, $0x4  }
0x88: {  	v2 =	vor.u32 v0, v2;
	v1 =	vand.u32 $0xF, v1  }
0x89: {  	v9 =	vor.u32 v2, v1;
	_ =	sdelay $0x2  }
0x8a: {  	s18 =	simm.s32 $0x10  }
0x8b: {  	v1 =	vld [tilespmem:s18+$0x0]  }
0x8c: {  	s21 =	simm.s32 $0x400;
	v2 =	vld.idx.msk [tilespmem:v9+s25+$0x0], $0xffff  }
0x8d: {  	s10 =	simm.s32 $0x10;
	v11 =	vld [tilespmem:s21+$0x0]  }
0x8e: {  	v3 =	vmov s10  }
0x8f: {  	v3 =	vshll.u32 v3, $0x4;
	v5 =	vld.idx.msk [tilespmem:v9+s26+$0x0], $0xffff  }
0x90: {  	v3 =	vor.u32 v0, v3;
	v1 =	vand.u32 $0xF, v1  }
0x91: {  	v4 =	vor.u32 v3, v1;
	v1 =	vand.u32 $0x7FFFFFFF, v2  }
0x92: {  	v1 =	vmul.f32 v1, v11;
	_ =	sdelay $0x1  }
0x93: {  	s11 =	simm.s32 $0x20;
	v1 =	vadd.f32 v1, v5  }
0x94: {  	s12 =	simm.s32 $0x14600;
	v2 =	vld [tilespmem:s11+$0x0]  }
0x95: {  	v5 =	vld.idx.msk [tilespmem:v4+s25+$0x0], $0xffff;
	[tilespmem:s12+$0x0] =	vst v1  }
0x96: {  	s16 =	simm.s32 $0x410;
	v6 =	vld.idx.msk [tilespmem:v9+s28+$0x0], $0xffff  }
0x97: {  	s18 =	simm.s32 $0x20;
	v3 =	vld [tilespmem:s16+$0x0]  }
0x98: {  	v1 =	vmov s18  }
0x99: {  	v7 =	vld.idx.msk [tilespmem:v4+s26+$0x0], $0xffff;
	v1 =	vshll.u32 v1, $0x4  }
0x9a: {  	v2 =	vand.u32 $0xF, v2;
	v1 =	vor.u32 v0, v1  }
0x9b: {  	v1 =	vor.u32 v1, v2;
	v2 =	vand.u32 $0x7FFFFFFF, v5;
	v5 =	vld.idx.msk [tilespmem:v9+s29+$0x0], $0xffff;
	v6 =	vand.u32 $0x7FFFFFFF, v6  }
0x9c: {  	v8 =	vmul.f32 v2, v3;
	v6 =	vmul.f32 v6, v11  }
0x9d: {  	s21 =	simm.s32 $0x420  }
0x9e: {  	s10 =	simm.s32 $0x30;
	v2 =	vld [tilespmem:s21+$0x0];
	v7 =	vadd.f32 v8, v7;
	v6 =	vsub.f32 $0.0e+00, v6  }
0x9f: {  	s11 =	simm.s32 $0x14610;
	v8 =	vld [tilespmem:s10+$0x0]  }
0xa0: {  	v10 =	vld.idx.msk [tilespmem:v1+s25+$0x0], $0xffff;
	[tilespmem:s11+$0x0] =	vst v7;
	v5 =	vadd.f32 v6, v5  }
0xa1: {  	s12 =	simm.s32 $0x14800;
	v6 =	vld.idx.msk [tilespmem:v4+s28+$0x0], $0xffff  }
0xa2: {  	s16 =	simm.s32 $0x30;
	v7 =	vld.idx.msk [tilespmem:v1+s26+$0x0], $0xffff;
	[tilespmem:s12+$0x0] =	vst v5  }
0xa3: {  	v5 =	vmov s16;
	v12 =	vld.idx.msk [tilespmem:v9+s30+$0x0], $0xffff  }
0xa4: {  	v5 =	vshll.u32 v5, $0x4;
	v13 =	vld.idx.msk [tilespmem:v9+s31+$0x0], $0xffff  }
0xa5: {  	v8 =	vand.u32 $0xF, v8;
	v10 =	vand.u32 $0x7FFFFFFF, v10;
	v5 =	vor.u32 v0, v5  }
0xa6: {  	v10 =	vmul.f32 v10, v2;
	v5 =	vor.u32 v5, v8;
	v8 =	vld.idx.msk [tilespmem:v4+s29+$0x0], $0xffff;
	v6 =	vand.u32 $0x7FFFFFFF, v6  }
0xa7: {  	v14 =	vmul.f32 v11, v11;
	v6 =	vmul.f32 v6, v3  }
0xa8: {  	s21 =	simm.s32 $0x40;
	v15 =	vld.idx.msk [tilespmem:v9+s0+$0x0], $0xffff;
	v10 =	vadd.f32 v10, v7;
	v12 =	vand.u32 $0x7FFFFFFF, v12  }
0xa9: {  	s18 =	simm.s32 $0x430;
	v16 =	vld [tilespmem:s21+$0x0];
	v6 =	vsub.f32 $0.0e+00, v6;
	v13 =	vmul.f32 v13, v11;
	v12 =	vmul.f32 v12, v14  }
0xaa: {  	s10 =	simm.s32 $0x14620;
	v7 =	vld [tilespmem:s18+$0x0]  }
0xab: {  	[tilespmem:s10+$0x0] =	vst v10;
	v17 =	vld.idx.msk [tilespmem:v5+s25+$0x0], $0xffff;
	v6 =	vadd.f32 v6, v8;
	v8 =	vadd.f32 v13, v12  }
0xac: {  	s11 =	simm.s32 $0x14810;
	s12 =	simm.s32 $0x40;
	v10 =	vld.idx.msk [tilespmem:v1+s28+$0x0], $0xffff  }
0xad: {  	v12 =	vld.idx.msk [tilespmem:v5+s26+$0x0], $0xffff;
	[tilespmem:s11+$0x0] =	vst v6;
	v6 =	vadd.f32 v8, v15;
	v8 =	vmov s12  }
0xae: {  	s16 =	simm.s32 $0x14A00;
	v13 =	vld.idx.msk [tilespmem:v4+s30+$0x0], $0xffff;
	v8 =	vshll.u32 v8, $0x4  }
0xaf: {  	v15 =	vld.idx.msk [tilespmem:v4+s31+$0x0], $0xffff;
	[tilespmem:s16+$0x0] =	vst v6;
	v6 =	vor.u32 v0, v8;
	v8 =	vand.u32 $0xF, v16  }
0xb0: {  	s21 =	simm.s32 $0x50;
	v16 =	vld.idx.msk [tilespmem:v9+s8+$0x0], $0xffff;
	v6 =	vor.u32 v6, v8;
	v8 =	vand.u32 $0x7FFFFFFF, v17  }
0xb1: {  	v22 =	vld [tilespmem:s21+$0x0];
	v18 =	vmul.f32 v8, v7  }
0xb2: {  	v17 =	vld.idx.msk [tilespmem:v1+s29+$0x0], $0xffff;
	v8 =	vand.u32 $0x7FFFFFFF, v10  }
0xb3: {  	v21 =	vld.idx.msk [tilespmem:v9+s19+$0x0], $0xffff;
	v20 =	vmul.f32 v8, v2;
	v8 =	vmul.f32 v3, v3;
	v12 =	vadd.f32 v18, v12  }
0xb4: {  	s1 =	simm.s32 $0x14630;
	v19 =	vld.idx.msk [tilespmem:v4+s0+$0x0], $0xffff;
	v13 =	vand.u32 $0x7FFFFFFF, v13;
	v15 =	vmul.f32 v15, v3  }
0xb5: {  	v9 =	vld.idx.msk [tilespmem:v9+s14+$0x0], $0xffff;
	v18 =	vsub.f32 $0.0e+00, v20;
	v13 =	vmul.f32 v13, v8;
	[tilespmem:s1+$0x0] =	vst v12;
	v12 =	vand.u32 $0x7FFFFFFF, v16  }
0xb6: {  	s18 =	simm.s32 $0x440;
	v20 =	vld.idx.msk [tilespmem:v6+s25+$0x0], $0xffff;
	v12 =	vmul.f32 v12, v14  }
0xb7: {  	v10 =	vld [tilespmem:s18+$0x0];
	v16 =	vadd.f32 v18, v17;
	v13 =	vadd.f32 v15, v13  }
0xb8: {  	s12 =	simm.s32 $0x14820;
	v11 =	vmul.f32 v21, v11;
	v14 =	vld.idx.msk [tilespmem:v5+s28+$0x0], $0xffff;
	v12 =	vsub.f32 $0.0e+00, v12  }
0xb9: {  	s21 =	simm.s32 $0x50;
	v15 =	vld.idx.msk [tilespmem:v6+s26+$0x0], $0xffff;
	[tilespmem:s12+$0x0] =	vst v16;
	v13 =	vadd.f32 v13, v19  }
0xba: {  	s11 =	simm.s32 $0x14A10;
	v16 =	vmov s21;
	v23 =	vld.idx.msk [tilespmem:v1+s30+$0x0], $0xffff;
	v11 =	vadd.f32 v12, v11  }
0xbb: {  	s16 =	simm.s32 $0x450;
	v24 =	vld.idx.msk [tilespmem:v5+s29+$0x0], $0xffff;
	[tilespmem:s11+$0x0] =	vst v13;
	v13 =	vshll.u32 v16, $0x4;
	v16 =	vand.u32 $0x7FFFFFFF, v20  }
0xbc: {  	v19 =	vld [tilespmem:s16+$0x0];
	v12 =	vor.u32 v0, v13;
	v9 =	vadd.f32 v11, v9;
	v11 =	vmul.f32 v16, v10  }
0xbd: {  	v21 =	vld.idx.msk [tilespmem:v1+s31+$0x0], $0xffff;
	v13 =	vand.u32 $0xF, v22;
	v16 =	vand.u32 $0x7FFFFFFF, v14  }
0xbe: {  	v20 =	vmov v5;
	v18 =	vld.idx.msk [tilespmem:v4+s8+$0x0], $0xffff;
	v14 =	vor.u32 v12, v13;
	v26 =	vmul.f32 v16, v7  }
0xbf: {  	s10 =	simm.s32 $0x14C00;
	v22 =	vld.idx.msk [tilespmem:v1+s0+$0x0], $0xffff;
	v16 =	vmul.f32 v2, v2;
	v27 =	vadd.f32 v11, v15;
	v25 =	vand.u32 $0x7FFFFFFF, v23;
	v12 =	vmovc v5  }
0xc0: {  	s18 =	simm.s32 $0x60;
	v17 =	vld.idx.msk [tilespmem:v4+s19+$0x0], $0xffff;
	[tilespmem:s10+$0x0] =	vst v9;
	v13 =	vmovc v10;
	v23 =	vmovc v5;
	v15 =	vmov v1;
	v9 =	vmov v6;
	v11 =	vmov v7  }
.LBB2_6:
0xc1: {  	_ = 	snop  }
0xc2: {  	v29 =	vmov v5;
	v5 =	vmov v6;
	v6 =	vmov v14;
	_ =	sdelay $0x2  }
0xc3: {  	v28 =	vmov v7;
	v7 =	vmov v10;
	v10 =	vmov v19  }
0xc4: {  	s1 =	sadd.s32 $0x10, s1;
	v25 =	vmul.f32 v25, v16;
	v21 =	vmul.f32 v21, v2;
	v19 =	vsub.f32 $0.0e+00, v26;
	v14 =	vld [tilespmem:s18+$0x0]  }
0xc5: {  	v18 =	vand.u32 $0x7FFFFFFF, v18;
	v26 =	vld.idx.msk [tilespmem:v6+s25+$0x0], $0xffff;
	[tilespmem:s1+$0x0] =	vst v27  }
0xc6: {  	v18 =	vmul.f32 v18, v8;
	v21 =	vadd.f32 v21, v25;
	v19 =	vadd.f32 v19, v24;
	v25 =	vld.idx.msk [tilespmem:v4+s14+$0x0], $0xffff  }
0xc7: {  	s12 =	sadd.s32 $0x10, s12;
	v8 =	vmovc v16;
	v4 =	vmovc v1;
	v1 =	vmov v12;
	v12 =	vmov v9;
	v27 =	vld.idx.msk [tilespmem:v9+s28+$0x0], $0xffff;
	v9 =	vmov v6  }
0xc8: {  	s21 =	sadd.s32 $0x10, s21;
	v18 =	vsub.f32 $0.0e+00, v18;
	v17 =	vmul.f32 v17, v3;
	v16 =	vadd.f32 v21, v22;
	v30 =	vld.idx.msk [tilespmem:v6+s26+$0x0], $0xffff;
	[tilespmem:s12+$0x0] =	vst v19  }
0xc9: {  	s11 =	sadd.s32 $0x10, s11;
	p0 =	slt.u32 s21, $0xF0;
	v3 =	vmovc v2;
	v2 =	vmovc v11;
	v11 =	vmov v13;
	v19 =	vmov s21;
	v31 =	vld.idx.msk [tilespmem:v20+s30+$0x0], $0xffff;
	v20 =	vmov v5  }
0xca: {  	v13 =	vmovc v10;
	v19 =	vshll.u32 v19, $0x4;
	v21 =	vld.idx.msk [tilespmem:v23+s31+$0x0], $0xffff;
	[tilespmem:s11+$0x0] =	vst v16;
	v16 =	vadd.f32 v18, v17;
	v23 =	vmov v5  }
.Ltmp2:
0xcb: {  	v14 =	vand.u32 $0xF, v14;
	v17 =	vor.u32 v0, v19;
	v18 =	vld.idx.msk [tilespmem:v15+s8+$0x0], $0xffff;
	v15 =	vmov v29;
	(pc) =	sbr.rel @p0 .LBB2_6-.Ltmp2, $4  }
0xcc: {  	v14 =	vor.u32 v17, v14;
	v17 =	vand.u32 $0x7FFFFFFF, v26;
	v24 =	vld.idx.msk [tilespmem:v12+s29+$0x0], $0xffff;
	v19 =	vadd.f32 v16, v25  }
0xcd: {  	s10 =	sadd.s32 $0x10, s10;
	v25 =	vmul.f32 v17, v13;
	v16 =	vand.u32 $0x7FFFFFFF, v27;
	v22 =	vld.idx.msk [tilespmem:v1+s0+$0x0], $0xffff  }
0xce: {  	s16 =	sadd.s32 $0x10, s16;
	v26 =	vmul.f32 v16, v11;
	v16 =	vmul.f32 v28, v2;
	v17 =	vld.idx.msk [tilespmem:v4+s19+$0x0], $0xffff;
	[tilespmem:s10+$0x0] =	vst v19  }
0xcf: {  	s18 =	sadd.s32 $0x10, s18;
	v27 =	vadd.f32 v25, v30;
	v25 =	vand.u32 $0x7FFFFFFF, v31;
	v19 =	vld [tilespmem:s16+$0x0]  }
0xd0: {  	_ =	sdelay $0x3  }
0xd1: {  	v28 =	vld.idx.msk [tilespmem:v14+s25+$0x0], $0xffff;
	_ =	sdelay $0x2  }
0xd2: {  	v29 =	vld.idx.msk [tilespmem:v14+s26+$0x0], $0xffff;
	_ =	sdelay $0x1  }
0xd3: {  	v28 =	vand.u32 $0x7FFFFFFF, v28  }
0xd4: {  	v28 =	vmul.f32 v28, v19  }
0xd5: {  	s1 =	sadd.s32 $0x10, s1  }
0xd6: {  	[tilespmem:s1+$0x0] =	vst v27;
	v27 =	vadd.f32 v28, v29  }
0xd7: {  	s1 =	sadd.s32 $0x10, s1;
	v28 =	vld.idx.msk [tilespmem:v9+s28+$0x0], $0xffff  }
0xd8: {  	[tilespmem:s1+$0x0] =	vst v27  }
0xd9: {  	v27 =	vld.idx.msk [tilespmem:v14+s28+$0x0], $0xffff;
	_ =	sdelay $0x2  }
0xda: {  	v29 =	vld.idx.msk [tilespmem:v9+s29+$0x0], $0xffff;
	v28 =	vand.u32 $0x7FFFFFFF, v28  }
0xdb: {  	v26 =	vsub.f32 $0.0e+00, v26;
	v28 =	vmul.f32 v28, v13  }
0xdc: {  	v30 =	vld.idx.msk [tilespmem:v14+s29+$0x0], $0xffff;
	v27 =	vand.u32 $0x7FFFFFFF, v27  }
0xdd: {  	v24 =	vadd.f32 v26, v24;
	v26 =	vsub.f32 $0.0e+00, v28;
	v27 =	vmul.f32 v27, v19  }
0xde: {  	s18 =	sadd.s32 $0x10, s12  }
0xdf: {  	[tilespmem:s18+$0x0] =	vst v24;
	v24 =	vadd.f32 v26, v29;
	v26 =	vsub.f32 $0.0e+00, v27  }
0xe0: {  	v20 =	vld.idx.msk [tilespmem:v20+s30+$0x0], $0xffff;
	s1 =	sadd.s32 $0x10, s18  }
0xe1: {  	v23 =	vld.idx.msk [tilespmem:v23+s31+$0x0], $0xffff;
	[tilespmem:s1+$0x0] =	vst v24;
	v24 =	vadd.f32 v26, v30  }
0xe2: {  	s1 =	sadd.s32 $0x10, s1;
	v26 =	vld.idx.msk [tilespmem:v6+s30+$0x0], $0xffff  }
0xe3: {  	v25 =	vmul.f32 v25, v16;
	v21 =	vmul.f32 v21, v2;
	v27 =	vld.idx.msk [tilespmem:v6+s31+$0x0], $0xffff;
	[tilespmem:s1+$0x0] =	vst v24  }
0xe4: {  	v24 =	vld.idx.msk [tilespmem:v14+s30+$0x0], $0xffff  }
0xe5: {  	v21 =	vadd.f32 v21, v25;
	v25 =	vld.idx.msk [tilespmem:v14+s31+$0x0], $0xffff  }
0xe6: {  	v7 =	vmul.f32 v7, v11;
	v10 =	vmul.f32 v10, v13  }
0xe7: {  	v21 =	vadd.f32 v21, v22;
	v22 =	vld.idx.msk [tilespmem:v12+s0+$0x0], $0xffff;
	v20 =	vand.u32 $0x7FFFFFFF, v20;
	v23 =	vmul.f32 v23, v11  }
0xe8: {  	v20 =	vmul.f32 v20, v7;
	v29 =	vmul.f32 v19, v19;
	v28 =	vld.idx.msk [tilespmem:v9+s0+$0x0], $0xffff;
	v26 =	vand.u32 $0x7FFFFFFF, v26  }
0xe9: {  	v63 =	vld.idx.msk [tilespmem:v14+s0+$0x0], $0xffff;
	v27 =	vmul.f32 v27, v13;
	v26 =	vmul.f32 v26, v10;
	v24 =	vand.u32 $0x7FFFFFFF, v24  }
0xea: {  	v20 =	vadd.f32 v23, v20;
	v23 =	vmul.f32 v24, v29;
	v24 =	vmul.f32 v25, v19  }
0xeb: {  	s21 =	sadd.s32 $0x10, s11;
	v25 =	vadd.f32 v27, v26  }
0xec: {  	v4 =	vld.idx.msk [tilespmem:v4+s14+$0x0], $0xffff;
	[tilespmem:s21+$0x0] =	vst v21;
	v20 =	vadd.f32 v20, v22;
	v21 =	vadd.f32 v24, v23  }
0xed: {  	v18 =	vand.u32 $0x7FFFFFFF, v18;
	v15 =	vld.idx.msk [tilespmem:v15+s8+$0x0], $0xffff;
	s1 =	sadd.s32 $0x10, s21;
	v22 =	vadd.f32 v25, v28  }
0xee: {  	v8 =	vmul.f32 v18, v8;
	v18 =	vld.idx.msk [tilespmem:v1+s19+$0x0], $0xffff;
	[tilespmem:s1+$0x0] =	vst v20;
	s1 =	sadd.s32 $0x10, s1;
	v20 =	vadd.f32 v21, v63  }
0xef: {  	v5 =	vld.idx.msk [tilespmem:v5+s8+$0x0], $0xffff;
	[tilespmem:s1+$0x0] =	vst v22;
	s1 =	sadd.s32 $0x10, s1  }
0xf0: {  	v8 =	vsub.f32 $0.0e+00, v8;
	v3 =	vmul.f32 v17, v3;
	v6 =	vld.idx.msk [tilespmem:v6+s8+$0x0], $0xffff;
	[tilespmem:s1+$0x0] =	vst v20  }
0xf1: {  	v17 =	vld.idx.msk [tilespmem:v14+s8+$0x0], $0xffff  }
0xf2: {  	v3 =	vadd.f32 v8, v3;
	v8 =	vand.u32 $0x7FFFFFFF, v15;
	v15 =	vld.idx.msk [tilespmem:v12+s19+$0x0], $0xffff  }
0xf3: {  	v8 =	vmul.f32 v8, v16;
	v16 =	vld.idx.msk [tilespmem:v9+s19+$0x0], $0xffff  }
0xf4: {  	v3 =	vadd.f32 v3, v4;
	v4 =	vand.u32 $0x7FFFFFFF, v5;
	v5 =	vld.idx.msk [tilespmem:v14+s19+$0x0], $0xffff  }
0xf5: {  	v1 =	vld.idx.msk [tilespmem:v1+s14+$0x0], $0xffff;
	v2 =	vmul.f32 v18, v2;
	v4 =	vmul.f32 v4, v7;
	v6 =	vand.u32 $0x7FFFFFFF, v6  }
0xf6: {  	v8 =	vsub.f32 $0.0e+00, v8;
	v7 =	vld.idx.msk [tilespmem:v12+s14+$0x0], $0xffff;
	v6 =	vmul.f32 v6, v10;
	v10 =	vand.u32 $0x7FFFFFFF, v17  }
0xf7: {  	v11 =	vmul.f32 v15, v11;
	v4 =	vsub.f32 $0.0e+00, v4;
	v9 =	vld.idx.msk [tilespmem:v9+s14+$0x0], $0xffff;
	v10 =	vmul.f32 v10, v29  }
0xf8: {  	v2 =	vadd.f32 v8, v2;
	v12 =	vld.idx.msk [tilespmem:v14+s14+$0x0], $0xffff;
	v8 =	vmul.f32 v16, v13;
	v6 =	vsub.f32 $0.0e+00, v6  }
0xf9: {  	v4 =	vadd.f32 v4, v11;
	v5 =	vmul.f32 v5, v19;
	v10 =	vsub.f32 $0.0e+00, v10  }
0xfa: {  	s11 =	sadd.s32 $0x10, s10;
	v1 =	vadd.f32 v2, v1;
	v2 =	vadd.f32 v6, v8  }
0xfb: {  	[tilespmem:s11+$0x0] =	vst v3;
	s1 =	sadd.s32 $0x10, s11;
	v3 =	vadd.f32 v4, v7;
	v4 =	vadd.f32 v10, v5  }
0xfc: {  	[tilespmem:s1+$0x0] =	vst v1;
	s1 =	sadd.s32 $0x10, s1;
	v1 =	vadd.f32 v2, v9  }
0xfd: {  	[tilespmem:s1+$0x0] =	vst v3;
	s1 =	sadd.s32 $0x10, s1;
	v2 =	vadd.f32 v4, v12  }
0xfe: {  	[tilespmem:s1+$0x0] =	vst v1;
	s1 =	sadd.s32 $0x10, s1  }
0xff: {  	[tilespmem:s1+$0x0] =	vst v2  }
0x100: {  	_ =	swait.ge [sflag:s15], $0x1000  }
0x101: {  	[sflag:s15] =	ssyncset.done $0x0  }
0x102: {  	[sflag:s15] =	ssyncadd.s32 $0xFFFFF000  }
0x103: {  	_ =	swait.ge [sflag:s15], $0x1000  }
0x104: {  	[sflag:s15] =	ssyncset.done $0x0  }
0x105: {  	[sflag:s15] =	ssyncadd.s32 $0xFFFFF000  }
0x106: {  	_ =	swait.ge [sflag:s15], $0x1000  }
0x107: {  	[sflag:s15] =	ssyncset.done $0x0  }
0x108: {  	[sflag:s15] =	ssyncadd.s32 $0xFFFFF000  }
0x109: {  	_ =	swait.ge [sflag:s15], $0x1000  }
0x10a: {  	[sflag:s15] =	ssyncset.done $0x0  }
0x10b: {  	[sflag:s15] =	ssyncadd.s32 $0xFFFFF000  }
0x10c: {  	_ =	swait.ge [sflag:s15], $0x1000  }
0x10d: {  	[sflag:s15] =	ssyncset.done $0x0  }
0x10e: {  	[sflag:s15] =	ssyncadd.s32 $0xFFFFF000  }
0x10f: {  	_ =	swait.ge [sflag:s15], $0x1000  }
0x110: {  	[sflag:s15] =	ssyncset.done $0x0  }
0x111: {  	[sflag:s15] =	ssyncadd.s32 $0xFFFFF000  }
0x112: {  	_ =	swait.ge [sflag:s15], $0x1000  }
0x113: {  	[sflag:s15] =	ssyncset.done $0x0  }
0x114: {  	[sflag:s15] =	ssyncadd.s32 $0xFFFFF000  }
0x115: {  	_ =	swait.ge [sflag:s15], $0x1000  }
0x116: {  	[sflag:s15] =	ssyncset.done $0x0  }
0x117: {  	[sflag:s15] =	ssyncadd.s32 $0xFFFFF000  }
0x118: {  	_ =	swait.ge [sflag:s15], $0x1000  }
0x119: {  	[sflag:s15] =	ssyncset.done $0x0  }
0x11a: {  	[sflag:s15] =	ssyncadd.s32 $0xFFFFF000  }
0x11b: {  	_ =	swait.ge [sflag:s15], $0x1000  }
0x11c: {  	[sflag:s15] =	ssyncset.done $0x0  }
0x11d: {  	s12 =	simm.s32 $0x100;
	[sflag:s15] =	ssyncadd.s32 $0xFFFFF000  }
0x11e: {  	v1 =	vld [tilespmem:s12+$0x0];
	_ =	sdelay $0x1  }
0x11f: {  	s16 =	simm.s32 $0x0  }
0x120: {  	v2 =	vmov s16  }
0x121: {  	v2 =	vshll.u32 v2, $0x4  }
0x122: {  	v2 =	vor.u32 v0, v2;
	v1 =	vand.u32 $0xF, v1  }
0x123: {  	v9 =	vor.u32 v2, v1;
	_ =	sdelay $0x2  }
0x124: {  	s18 =	simm.s32 $0x110  }
0x125: {  	v1 =	vld [tilespmem:s18+$0x0]  }
0x126: {  	s21 =	simm.s32 $0x500;
	v2 =	vld.idx.msk [tilespmem:v9+s17+$0x0], $0xffff  }
0x127: {  	s10 =	simm.s32 $0x10;
	v11 =	vld [tilespmem:s21+$0x0]  }
0x128: {  	v3 =	vmov s10  }
0x129: {  	v3 =	vshll.u32 v3, $0x4;
	v5 =	vld.idx.msk [tilespmem:v9+s22+$0x0], $0xffff  }
0x12a: {  	v3 =	vor.u32 v0, v3;
	v1 =	vand.u32 $0xF, v1  }
0x12b: {  	v4 =	vor.u32 v3, v1;
	v1 =	vand.u32 $0x7FFFFFFF, v2  }
0x12c: {  	v1 =	vmul.f32 v1, v11;
	_ =	sdelay $0x1  }
0x12d: {  	s11 =	simm.s32 $0x120;
	v1 =	vadd.f32 v1, v5  }
0x12e: {  	s12 =	simm.s32 $0x14700;
	v2 =	vld [tilespmem:s11+$0x0]  }
0x12f: {  	v5 =	vld.idx.msk [tilespmem:v4+s17+$0x0], $0xffff;
	[tilespmem:s12+$0x0] =	vst v1  }
0x130: {  	s16 =	simm.s32 $0x510;
	v6 =	vld.idx.msk [tilespmem:v9+s23+$0x0], $0xffff  }
0x131: {  	s18 =	simm.s32 $0x20;
	v3 =	vld [tilespmem:s16+$0x0]  }
0x132: {  	v1 =	vmov s18  }
0x133: {  	v7 =	vld.idx.msk [tilespmem:v4+s22+$0x0], $0xffff;
	v1 =	vshll.u32 v1, $0x4  }
0x134: {  	v2 =	vand.u32 $0xF, v2;
	v1 =	vor.u32 v0, v1  }
0x135: {  	v1 =	vor.u32 v1, v2;
	v2 =	vand.u32 $0x7FFFFFFF, v5;
	v5 =	vld.idx.msk [tilespmem:v9+s24+$0x0], $0xffff;
	v6 =	vand.u32 $0x7FFFFFFF, v6  }
0x136: {  	v8 =	vmul.f32 v2, v3;
	v6 =	vmul.f32 v6, v11  }
0x137: {  	s21 =	simm.s32 $0x520  }
0x138: {  	s10 =	simm.s32 $0x130;
	v2 =	vld [tilespmem:s21+$0x0];
	v7 =	vadd.f32 v8, v7;
	v6 =	vsub.f32 $0.0e+00, v6  }
0x139: {  	s11 =	simm.s32 $0x14710;
	v8 =	vld [tilespmem:s10+$0x0]  }
0x13a: {  	v10 =	vld.idx.msk [tilespmem:v1+s17+$0x0], $0xffff;
	[tilespmem:s11+$0x0] =	vst v7;
	v5 =	vadd.f32 v6, v5  }
0x13b: {  	s12 =	simm.s32 $0x14900;
	v6 =	vld.idx.msk [tilespmem:v4+s23+$0x0], $0xffff  }
0x13c: {  	s16 =	simm.s32 $0x30;
	v7 =	vld.idx.msk [tilespmem:v1+s22+$0x0], $0xffff;
	[tilespmem:s12+$0x0] =	vst v5  }
0x13d: {  	v5 =	vmov s16;
	v12 =	vld.idx.msk [tilespmem:v9+s13+$0x0], $0xffff  }
0x13e: {  	v5 =	vshll.u32 v5, $0x4;
	v13 =	vld.idx.msk [tilespmem:v9+s2+$0x0], $0xffff  }
0x13f: {  	v8 =	vand.u32 $0xF, v8;
	v10 =	vand.u32 $0x7FFFFFFF, v10;
	v5 =	vor.u32 v0, v5  }
0x140: {  	v10 =	vmul.f32 v10, v2;
	v5 =	vor.u32 v5, v8;
	v8 =	vld.idx.msk [tilespmem:v4+s24+$0x0], $0xffff;
	v6 =	vand.u32 $0x7FFFFFFF, v6  }
0x141: {  	v14 =	vmul.f32 v11, v11;
	v6 =	vmul.f32 v6, v3  }
0x142: {  	s21 =	simm.s32 $0x140;
	v15 =	vld.idx.msk [tilespmem:v9+s3+$0x0], $0xffff;
	v10 =	vadd.f32 v10, v7;
	v12 =	vand.u32 $0x7FFFFFFF, v12  }
0x143: {  	s18 =	simm.s32 $0x530;
	v16 =	vld [tilespmem:s21+$0x0];
	v6 =	vsub.f32 $0.0e+00, v6;
	v13 =	vmul.f32 v13, v11;
	v12 =	vmul.f32 v12, v14  }
0x144: {  	s10 =	simm.s32 $0x14720;
	v7 =	vld [tilespmem:s18+$0x0]  }
0x145: {  	[tilespmem:s10+$0x0] =	vst v10;
	v17 =	vld.idx.msk [tilespmem:v5+s17+$0x0], $0xffff;
	v6 =	vadd.f32 v6, v8;
	v8 =	vadd.f32 v13, v12  }
0x146: {  	s11 =	simm.s32 $0x14910;
	s12 =	simm.s32 $0x40;
	v10 =	vld.idx.msk [tilespmem:v1+s23+$0x0], $0xffff  }
0x147: {  	v12 =	vld.idx.msk [tilespmem:v5+s22+$0x0], $0xffff;
	[tilespmem:s11+$0x0] =	vst v6;
	v6 =	vadd.f32 v8, v15;
	v8 =	vmov s12  }
0x148: {  	s16 =	simm.s32 $0x14B00;
	v13 =	vld.idx.msk [tilespmem:v4+s13+$0x0], $0xffff;
	v8 =	vshll.u32 v8, $0x4  }
0x149: {  	v15 =	vld.idx.msk [tilespmem:v4+s2+$0x0], $0xffff;
	[tilespmem:s16+$0x0] =	vst v6;
	v6 =	vor.u32 v0, v8;
	v8 =	vand.u32 $0xF, v16  }
0x14a: {  	s21 =	simm.s32 $0x150;
	v16 =	vld.idx.msk [tilespmem:v9+s4+$0x0], $0xffff;
	v6 =	vor.u32 v6, v8;
	v8 =	vand.u32 $0x7FFFFFFF, v17  }
0x14b: {  	v22 =	vld [tilespmem:s21+$0x0];
	v18 =	vmul.f32 v8, v7  }
0x14c: {  	v17 =	vld.idx.msk [tilespmem:v1+s24+$0x0], $0xffff;
	v8 =	vand.u32 $0x7FFFFFFF, v10  }
0x14d: {  	v21 =	vld.idx.msk [tilespmem:v9+s5+$0x0], $0xffff;
	v20 =	vmul.f32 v8, v2;
	v8 =	vmul.f32 v3, v3;
	v12 =	vadd.f32 v18, v12  }
0x14e: {  	s1 =	simm.s32 $0x14730;
	v19 =	vld.idx.msk [tilespmem:v4+s3+$0x0], $0xffff;
	v13 =	vand.u32 $0x7FFFFFFF, v13;
	v15 =	vmul.f32 v15, v3  }
0x14f: {  	v9 =	vld.idx.msk [tilespmem:v9+s6+$0x0], $0xffff;
	v18 =	vsub.f32 $0.0e+00, v20;
	v13 =	vmul.f32 v13, v8;
	[tilespmem:s1+$0x0] =	vst v12;
	v12 =	vand.u32 $0x7FFFFFFF, v16  }
0x150: {  	s18 =	simm.s32 $0x540;
	v20 =	vld.idx.msk [tilespmem:v6+s17+$0x0], $0xffff;
	v12 =	vmul.f32 v12, v14  }
0x151: {  	v10 =	vld [tilespmem:s18+$0x0];
	v16 =	vadd.f32 v18, v17;
	v13 =	vadd.f32 v15, v13  }
0x152: {  	s12 =	simm.s32 $0x14920;
	v11 =	vmul.f32 v21, v11;
	v14 =	vld.idx.msk [tilespmem:v5+s23+$0x0], $0xffff;
	v12 =	vsub.f32 $0.0e+00, v12  }
0x153: {  	s21 =	simm.s32 $0x50;
	v15 =	vld.idx.msk [tilespmem:v6+s22+$0x0], $0xffff;
	[tilespmem:s12+$0x0] =	vst v16;
	v13 =	vadd.f32 v13, v19  }
0x154: {  	s11 =	simm.s32 $0x14B10;
	v16 =	vmov s21;
	v23 =	vld.idx.msk [tilespmem:v1+s13+$0x0], $0xffff;
	v11 =	vadd.f32 v12, v11  }
0x155: {  	s16 =	simm.s32 $0x550;
	v24 =	vld.idx.msk [tilespmem:v5+s24+$0x0], $0xffff;
	[tilespmem:s11+$0x0] =	vst v13;
	v13 =	vshll.u32 v16, $0x4;
	v16 =	vand.u32 $0x7FFFFFFF, v20  }
0x156: {  	v19 =	vld [tilespmem:s16+$0x0];
	v12 =	vor.u32 v0, v13;
	v9 =	vadd.f32 v11, v9;
	v11 =	vmul.f32 v16, v10  }
0x157: {  	v21 =	vld.idx.msk [tilespmem:v1+s2+$0x0], $0xffff;
	v13 =	vand.u32 $0xF, v22;
	v16 =	vand.u32 $0x7FFFFFFF, v14  }
0x158: {  	v20 =	vmov v5;
	v18 =	vld.idx.msk [tilespmem:v4+s4+$0x0], $0xffff;
	v14 =	vor.u32 v12, v13;
	v26 =	vmul.f32 v16, v7  }
0x159: {  	s10 =	simm.s32 $0x14D00;
	v22 =	vld.idx.msk [tilespmem:v1+s3+$0x0], $0xffff;
	v16 =	vmul.f32 v2, v2;
	v27 =	vadd.f32 v11, v15;
	v25 =	vand.u32 $0x7FFFFFFF, v23;
	v12 =	vmovc v5  }
0x15a: {  	s18 =	simm.s32 $0x160;
	v17 =	vld.idx.msk [tilespmem:v4+s5+$0x0], $0xffff;
	[tilespmem:s10+$0x0] =	vst v9;
	v13 =	vmovc v10;
	v23 =	vmovc v5;
	v15 =	vmov v1;
	v9 =	vmov v6;
	v11 =	vmov v7  }
.LBB2_8:
0x15b: {  	_ = 	snop  }
0x15c: {  	v29 =	vmov v5;
	v5 =	vmov v6;
	v6 =	vmov v14;
	_ =	sdelay $0x2  }
0x15d: {  	v28 =	vmov v7;
	v7 =	vmov v10;
	v10 =	vmov v19  }
0x15e: {  	s1 =	sadd.s32 $0x10, s1;
	v25 =	vmul.f32 v25, v16;
	v21 =	vmul.f32 v21, v2;
	v19 =	vsub.f32 $0.0e+00, v26;
	v14 =	vld [tilespmem:s18+$0x0]  }
0x15f: {  	v18 =	vand.u32 $0x7FFFFFFF, v18;
	v26 =	vld.idx.msk [tilespmem:v6+s17+$0x0], $0xffff;
	[tilespmem:s1+$0x0] =	vst v27  }
0x160: {  	v18 =	vmul.f32 v18, v8;
	v21 =	vadd.f32 v21, v25;
	v19 =	vadd.f32 v19, v24;
	v25 =	vld.idx.msk [tilespmem:v4+s6+$0x0], $0xffff  }
0x161: {  	s12 =	sadd.s32 $0x10, s12;
	v8 =	vmovc v16;
	v4 =	vmovc v1;
	v1 =	vmov v12;
	v12 =	vmov v9;
	v27 =	vld.idx.msk [tilespmem:v9+s23+$0x0], $0xffff;
	v9 =	vmov v6  }
0x162: {  	s21 =	sadd.s32 $0x10, s21;
	v18 =	vsub.f32 $0.0e+00, v18;
	v17 =	vmul.f32 v17, v3;
	v16 =	vadd.f32 v21, v22;
	v30 =	vld.idx.msk [tilespmem:v6+s22+$0x0], $0xffff;
	[tilespmem:s12+$0x0] =	vst v19  }
0x163: {  	s11 =	sadd.s32 $0x10, s11;
	p0 =	slt.u32 s21, $0xF0;
	v3 =	vmovc v2;
	v2 =	vmovc v11;
	v11 =	vmov v13;
	v19 =	vmov s21;
	v31 =	vld.idx.msk [tilespmem:v20+s13+$0x0], $0xffff;
	v20 =	vmov v5  }
0x164: {  	v13 =	vmovc v10;
	v19 =	vshll.u32 v19, $0x4;
	v21 =	vld.idx.msk [tilespmem:v23+s2+$0x0], $0xffff;
	[tilespmem:s11+$0x0] =	vst v16;
	v16 =	vadd.f32 v18, v17;
	v23 =	vmov v5  }
.Ltmp3:
0x165: {  	v14 =	vand.u32 $0xF, v14;
	v17 =	vor.u32 v0, v19;
	v18 =	vld.idx.msk [tilespmem:v15+s4+$0x0], $0xffff;
	v15 =	vmov v29;
	(pc) =	sbr.rel @p0 .LBB2_8-.Ltmp3, $4  }
0x166: {  	v14 =	vor.u32 v17, v14;
	v17 =	vand.u32 $0x7FFFFFFF, v26;
	v24 =	vld.idx.msk [tilespmem:v12+s24+$0x0], $0xffff;
	v19 =	vadd.f32 v16, v25  }
0x167: {  	s10 =	sadd.s32 $0x10, s10;
	v25 =	vmul.f32 v17, v13;
	v16 =	vand.u32 $0x7FFFFFFF, v27;
	v22 =	vld.idx.msk [tilespmem:v1+s3+$0x0], $0xffff  }
0x168: {  	s16 =	sadd.s32 $0x10, s16;
	v26 =	vmul.f32 v16, v11;
	v16 =	vmul.f32 v28, v2;
	v17 =	vld.idx.msk [tilespmem:v4+s5+$0x0], $0xffff;
	[tilespmem:s10+$0x0] =	vst v19  }
0x169: {  	s18 =	sadd.s32 $0x10, s18;
	v27 =	vadd.f32 v25, v30;
	v25 =	vand.u32 $0x7FFFFFFF, v31;
	v19 =	vld [tilespmem:s16+$0x0]  }
0x16a: {  	_ =	sdelay $0x3  }
0x16b: {  	v28 =	vld.idx.msk [tilespmem:v14+s17+$0x0], $0xffff;
	_ =	sdelay $0x2  }
0x16c: {  	v29 =	vld.idx.msk [tilespmem:v14+s22+$0x0], $0xffff;
	_ =	sdelay $0x1  }
0x16d: {  	v28 =	vand.u32 $0x7FFFFFFF, v28  }
0x16e: {  	v28 =	vmul.f32 v28, v19  }
0x16f: {  	s1 =	sadd.s32 $0x10, s1  }
0x170: {  	[tilespmem:s1+$0x0] =	vst v27;
	v61 =	vadd.f32 v28, v29  }
0x171: {  	s1 =	sadd.s32 $0x10, s1;
	v62 =	vld.idx.msk [tilespmem:v9+s23+$0x0], $0xffff  }
0x172: {  	[tilespmem:s1+$0x0] =	vst v61  }
0x173: {  	v27 =	vld.idx.msk [tilespmem:v14+s23+$0x0], $0xffff;
	_ =	sdelay $0x2  }
0x174: {  	v63 =	vld.idx.msk [tilespmem:v9+s24+$0x0], $0xffff;
	v28 =	vand.u32 $0x7FFFFFFF, v62  }
0x175: {  	v26 =	vsub.f32 $0.0e+00, v26;
	v28 =	vmul.f32 v28, v13  }
0x176: {  	v30 =	vld.idx.msk [tilespmem:v14+s24+$0x0], $0xffff;
	v27 =	vand.u32 $0x7FFFFFFF, v27  }
0x177: {  	v24 =	vadd.f32 v26, v24;
	v32 =	vsub.f32 $0.0e+00, v28;
	v27 =	vmul.f32 v27, v19  }
0x178: {  	s21 =	sadd.s32 $0x10, s12  }
0x179: {  	[tilespmem:s21+$0x0] =	vst v24;
	v33 =	vadd.f32 v32, v63;
	v34 =	vsub.f32 $0.0e+00, v27  }
0x17a: {  	v20 =	vld.idx.msk [tilespmem:v20+s13+$0x0], $0xffff;
	s1 =	sadd.s32 $0x10, s21  }
0x17b: {  	v23 =	vld.idx.msk [tilespmem:v23+s2+$0x0], $0xffff;
	[tilespmem:s1+$0x0] =	vst v33;
	v35 =	vadd.f32 v34, v30  }
0x17c: {  	s1 =	sadd.s32 $0x10, s1;
	v36 =	vld.idx.msk [tilespmem:v6+s13+$0x0], $0xffff  }
0x17d: {  	v25 =	vmul.f32 v25, v16;
	v21 =	vmul.f32 v21, v2;
	v37 =	vld.idx.msk [tilespmem:v6+s2+$0x0], $0xffff;
	[tilespmem:s1+$0x0] =	vst v35  }
0x17e: {  	v24 =	vld.idx.msk [tilespmem:v14+s13+$0x0], $0xffff  }
0x17f: {  	v21 =	vadd.f32 v21, v25;
	v38 =	vld.idx.msk [tilespmem:v14+s2+$0x0], $0xffff  }
0x180: {  	v7 =	vmul.f32 v7, v11;
	v10 =	vmul.f32 v10, v13  }
0x181: {  	v21 =	vadd.f32 v21, v22;
	v41 =	vmul.f32 v19, v19;
	v39 =	vld.idx.msk [tilespmem:v12+s3+$0x0], $0xffff;
	v20 =	vand.u32 $0x7FFFFFFF, v20  }
0x182: {  	v23 =	vmul.f32 v23, v11;
	v20 =	vmul.f32 v20, v7;
	v40 =	vld.idx.msk [tilespmem:v9+s3+$0x0], $0xffff;
	v26 =	vand.u32 $0x7FFFFFFF, v36  }
0x183: {  	v27 =	vmul.f32 v37, v13;
	v26 =	vmul.f32 v26, v10;
	v42 =	vld.idx.msk [tilespmem:v14+s3+$0x0], $0xffff;
	v24 =	vand.u32 $0x7FFFFFFF, v24  }
0x184: {  	v20 =	vadd.f32 v23, v20;
	v44 =	vmul.f32 v38, v19;
	v43 =	vmul.f32 v24, v41  }
0x185: {  	s11 =	sadd.s32 $0x10, s11;
	v45 =	vadd.f32 v27, v26  }
0x186: {  	v4 =	vld.idx.msk [tilespmem:v4+s6+$0x0], $0xffff;
	[tilespmem:s11+$0x0] =	vst v21;
	v20 =	vadd.f32 v20, v39;
	v46 =	vadd.f32 v44, v43  }
0x187: {  	v18 =	vand.u32 $0x7FFFFFFF, v18;
	v15 =	vld.idx.msk [tilespmem:v15+s4+$0x0], $0xffff;
	s1 =	sadd.s32 $0x10, s11;
	v47 =	vadd.f32 v45, v40  }
0x188: {  	v8 =	vmul.f32 v18, v8;
	v48 =	vld.idx.msk [tilespmem:v1+s5+$0x0], $0xffff;
	[tilespmem:s1+$0x0] =	vst v20;
	s1 =	sadd.s32 $0x10, s1;
	v49 =	vadd.f32 v46, v42  }
0x189: {  	v5 =	vld.idx.msk [tilespmem:v5+s4+$0x0], $0xffff;
	[tilespmem:s1+$0x0] =	vst v47;
	s1 =	sadd.s32 $0x10, s1  }
0x18a: {  	v8 =	vsub.f32 $0.0e+00, v8;
	v3 =	vmul.f32 v17, v3;
	v50 =	vld.idx.msk [tilespmem:v6+s4+$0x0], $0xffff;
	[tilespmem:s1+$0x0] =	vst v49  }
0x18b: {  	v51 =	vld.idx.msk [tilespmem:v14+s4+$0x0], $0xffff  }
0x18c: {  	v3 =	vadd.f32 v8, v3;
	v53 =	vld.idx.msk [tilespmem:v12+s5+$0x0], $0xffff  }
0x18d: {  	v52 =	vand.u32 $0x7FFFFFFF, v15;
	v54 =	vld.idx.msk [tilespmem:v9+s5+$0x0], $0xffff  }
0x18e: {  	v3 =	vadd.f32 v3, v4;
	v8 =	vmul.f32 v52, v16;
	v55 =	vand.u32 $0x7FFFFFFF, v5;
	v56 =	vld.idx.msk [tilespmem:v14+s5+$0x0], $0xffff  }
0x18f: {  	v1 =	vld.idx.msk [tilespmem:v1+s6+$0x0], $0xffff;
	v2 =	vmul.f32 v48, v2;
	v4 =	vmul.f32 v55, v7;
	v6 =	vand.u32 $0x7FFFFFFF, v50  }
0x190: {  	v8 =	vsub.f32 $0.0e+00, v8;
	v57 =	vld.idx.msk [tilespmem:v12+s6+$0x0], $0xffff;
	v6 =	vmul.f32 v6, v10;
	v58 =	vand.u32 $0x7FFFFFFF, v51  }
0x191: {  	v60 =	vld.idx.msk [tilespmem:v9+s6+$0x0], $0xffff;
	v59 =	vmul.f32 v53, v11;
	v4 =	vsub.f32 $0.0e+00, v4;
	v10 =	vmul.f32 v58, v41  }
0x192: {  	v2 =	vadd.f32 v8, v2;
	v61 =	vmul.f32 v54, v13;
	v6 =	vsub.f32 $0.0e+00, v6;
	v62 =	vld.idx.msk [tilespmem:v14+s6+$0x0], $0xffff  }
0x193: {  	v4 =	vadd.f32 v4, v59;
	v5 =	vmul.f32 v56, v19;
	v10 =	vsub.f32 $0.0e+00, v10  }
0x194: {  	s12 =	sadd.s32 $0x10, s10;
	v1 =	vadd.f32 v2, v1;
	v2 =	vadd.f32 v6, v61  }
0x195: {  	[tilespmem:s12+$0x0] =	vst v3;
	s1 =	sadd.s32 $0x10, s12;
	v3 =	vadd.f32 v4, v57;
	v63 =	vadd.f32 v10, v5  }
0x196: {  	[tilespmem:s1+$0x0] =	vst v1;
	s1 =	sadd.s32 $0x10, s1;
	v1 =	vadd.f32 v2, v60  }
0x197: {  	[tilespmem:s1+$0x0] =	vst v3;
	s1 =	sadd.s32 $0x10, s1;
	v2 =	vadd.f32 v63, v62  }
0x198: {  	[tilespmem:s1+$0x0] =	vst v1;
	s1 =	sadd.s32 $0x10, s1  }
0x199: {  	[tilespmem:s1+$0x0] =	vst v2  }
0x19a: {  	s10 =	simm.s32 $0x0;
	s16 =	simm.s32 $0x14600;
	s1 =	rddreg [dreg:$0x11]  }
0x19b: {  	[hbm4b:s1+s10] =	stream.linear.scatter [tilespmem:s16], [sflag:$0x3], $0x200, $0x38;
	[tilespmem:$0x14E00] =	vst v63  }
0x19c: {  	s21 =	simm.s32 $0x14800;
	s18 =	rddreg [dreg:$0x13]  }
0x19d: {  	[hbm4b:s18+s10] =	stream.linear.scatter [tilespmem:s21], [sflag:$0x3], $0x200, $0x38;
	[tilespmem:$0x14E00] =	vst v63  }
0x19e: {  	s12 =	simm.s32 $0x14A00;
	s11 =	rddreg [dreg:$0x14]  }
0x19f: {  	[hbm4b:s11+s10] =	stream.linear.scatter [tilespmem:s12], [sflag:$0x3], $0x200, $0x38;
	[tilespmem:$0x14E00] =	vst v63  }
0x1a0: {  	s16 =	rddreg [dreg:$0x15];
	s18 =	simm.s32 $0x14C00  }
0x1a1: {  	[hbm4b:s16+s10] =	stream.linear.scatter [tilespmem:s18], [sflag:$0x3], $0x200, $0x38;
	[tilespmem:$0x14E00] =	vst v63  }
0x1a2: {  	_ =	swait.ge [sflag:s7], $0x200  }
0x1a3: {  	[sflag:s7] =	ssyncset.done $0x0  }
0x1a4: {  	[sflag:s7] =	ssyncadd.s32 $0xFFFFFE00  }
0x1a5: {  	_ =	swait.ge [sflag:s7], $0x200  }
0x1a6: {  	[sflag:s7] =	ssyncset.done $0x0  }
0x1a7: {  	[sflag:s7] =	ssyncadd.s32 $0xFFFFFE00  }
0x1a8: {  	_ =	swait.ge [sflag:s7], $0x200  }
0x1a9: {  	[sflag:s7] =	ssyncset.done $0x0  }
0x1aa: {  	[sflag:s7] =	ssyncadd.s32 $0xFFFFFE00  }
0x1ab: {  	_ =	swait.ge [sflag:s7], $0x200  }
0x1ac: {  	s9 =	sadd.s32 $0x1, s9;
	s21 =	rddreg [dreg:$0x12]  }
0x1ad: {  	p0 =	sne.s32 s9, s21  }
.Ltmp4:
0x1ae: {  	_ = 	snop;
	(pc) =	sbr.rel @p0 .LBB2_1-.Ltmp4, $4  }
0x1af: {  	s12 =	rddreg [dreg:$0x4]  }
0x1b0: {  	s16 =	rddreg [dreg:$0x5]  }
0x1b1: {  	[sflag:s7] =	ssyncset.done $0x0;
	s18 =	rddreg [dreg:$0x6]  }
0x1b2: {  	[sflag:s7] =	ssyncadd.s32 $0xFFFFFE00;
	s21 =	rddreg [dreg:$0x7]  }
0x1b3: {  	_ =	sfence.sel $0x180000  }
0x1b4: {  	[bflag:$0x0] =	sbarrier.arrive $0xFFFF  }
0x1b5: {  	_ =	strace $0x90000047  }
0x1b6: {  	s0 =	stileid.u32;
	[bflag:$0x2] =	sbarrier.arrive $0xFFFF  }
0x1b7: {  	p0 =	sne.s32 s0, $0x0;
	s0 =	rddreg [dreg:$0x3]  }
0x1b8: {  	s0 =	sadd.s32 @!p0 $0x100000, s0  }
0x1b9: {  	[sflag:s0] =	ssyncadd.tile.s32 @!p0 $0x1;
	_ =	shalt  }
.Lfunc_end2:
_tile_overlayer_lowered:
.L_overlay_start_2:
0x1ba: {  	(tag) =	ssettag $0x2  }
0x1bb: {  	s0 =	rddreg [dreg:$0x0];
	s2 =	stileid.u32  }
0x1bc: {  	s1 =	rddreg [dreg:$0x1];
	p0 =	sne.s32 s2, $0x0  }
0x1bd: {  	s3 =	rddreg [dreg:$0x2];
	[bflag:$0x3] =	sbarrier.arrive $0xFFFF;
	s2 =	simm.s32 @!p0 $0x1C04  }
0x1be: {  	[timem:s3], [sflag:s2] =	dma.local @!p0 [hbm:s0], s1  }
0x1bf: {  	s0 =	simm.s32 @!p0 $0x4  }
0x1c0: {  	_ =	swait.ge @!p0 [sflag:s0], s1  }
0x1c1: {  	s1 =	ssub.s32 @!p0 $0x0, s1;
	[sflag:s0] =	ssyncset.done @!p0 $0x0  }
0x1c2: {  	[sflag:s0] =	ssyncadd.s32 @!p0 s1  }
0x1c3: {  	[bflag:$0x3] =	sbarrier.arrive $0xFFFF  }
0x1c4: {  	_ =	shalt  }

</sc_bundles>
